<compile_context>
chip_gen: v7x
topology: tpu7x:2x2x1
jax: 0.10.2.dev20260603
libtpu: 0.0.44.dev20260713+nightly
codegen_flags: <defaults>
</compile_context>

<pallas_src>
import functools

import jax
import jax.numpy as jnp
from jax import lax
from jax.experimental import pallas as pl
from jax.experimental.pallas import tpu as pltpu
from jax.experimental.pallas import tpu_sc as plsc

N = 10000
E = 320000
DI = 128
DO = 32
DE = 16

NC = 2
NS = 16
NW = NC * NS
EPT = E // NW
BLK = 80
NBLK = EPT // BLK
ACCW = 96
NPAD = 10240
RPT = NPAD // NS

RB = 1000


def _nodes_body(x_ref, wfc_ref, wq_ref, ws_ref, wa12_ref, b3_ref,
                src_ref, dst_ref):
    xb = x_ref[...]
    z = jnp.dot(xb, wfc_ref[...], preferred_element_type=jnp.float32)
    z = z + b3_ref[0][None, :]
    q = jnp.dot(z, wq_ref[...], preferred_element_type=jnp.float32)
    q = q + b3_ref[1][None, :]
    s = jnp.dot(z, ws_ref[...], preferred_element_type=jnp.float32)
    s = s + b3_ref[2][None, :]
    uv = jnp.dot(z, wa12_ref[...], preferred_element_type=jnp.float32)
    ones16 = jnp.ones((1, 16), jnp.float32)
    u = uv[:, 0:1] + b3_ref[4, 0]
    src_ref[...] = jnp.concatenate([z, q, u * ones16], axis=1)
    dst_ref[...] = jnp.concatenate([s, uv[:, 1:2] * ones16], axis=1)


def _sc_body(src_tab, dst_tab, ea_hbm, cw_hbm, sidx3, didx3, zinit_hbm,
             out_hbm,
             acc_sh, cw_v, sidx_all, didx_all, srows2, drows2, eav2, payb2,
             sem_s, sem_d, sem_e, sem_sc):
    cid = lax.axis_index("c")
    sid = lax.axis_index("s")
    wid = sid * NC + cid

    pltpu.sync_copy(zinit_hbm.at[pl.ds(sid * RPT, RPT)],
                    acc_sh.at[pl.ds(sid * RPT, RPT)])

    pltpu.sync_copy(sidx3.at[wid], sidx_all)
    pltpu.sync_copy(didx3.at[wid], didx_all)
    pltpu.sync_copy(cw_hbm, cw_v)
    plsc.subcore_barrier()

    e_base = wid * EPT

    def issue_gathers(k, b):
        pltpu.async_copy(src_tab.at[sidx_all.at[k]], srows2.at[b], sem_s)
        pltpu.async_copy(dst_tab.at[didx_all.at[k]], drows2.at[b], sem_d)
        pltpu.async_copy(ea_hbm.at[pl.ds(e_base + k * BLK, BLK)],
                         eav2.at[b], sem_e)

    issue_gathers(0, 0)
    issue_gathers(1, 1)

    def blk_body(k, carry):
        b = lax.rem(k, 2)

        @pl.when(k >= 2)
        def _wait_prev_scatter():
            pltpu.make_async_copy(payb2.at[b],
                                  acc_sh.at[didx_all.at[k - 2]],
                                  sem_sc).wait()

        @pl.when(k < NBLK)
        def _work():
            _do_block(k, b)
        return carry

    def _do_block(k, b):
        pltpu.make_async_copy(src_tab.at[sidx_all.at[k]], srows2.at[b],
                              sem_s).wait()
        pltpu.make_async_copy(dst_tab.at[didx_all.at[k]], drows2.at[b],
                              sem_d).wait()
        pltpu.make_async_copy(ea_hbm.at[pl.ds(e_base + k * BLK, BLK)],
                              eav2.at[b], sem_e).wait()

        @plsc.parallel_loop(0, BLK, 1, unroll=10)
        def edge_body(i):
            lane = lax.broadcasted_iota(jnp.int32, (16,), 0)
            z0 = srows2[b, i, pl.ds(0, 16)]
            z1 = srows2[b, i, pl.ds(16, 16)]
            q0 = srows2[b, i, pl.ds(32, 16)]
            q1 = srows2[b, i, pl.ds(48, 16)]
            s0 = drows2[b, i, pl.ds(0, 16)]
            s1 = drows2[b, i, pl.ds(16, 16)]
            ea0 = eav2[b, i, pl.ds(0, 16)]
            w = jnp.sum(ea0 * cw_v[0, pl.ds(0, 16)])
            av = srows2[b, i, pl.ds(64, 16)] + drows2[b, i, pl.ds(32, 16)] \
                + jnp.full((16,), w, jnp.float32)
            ev = jnp.maximum(av, 0.2 * av)
            pv = jnp.exp(ev)
            es = jnp.sum(q0 * s0 + q1 * s1)
            psv = jnp.exp(jnp.full((16,), es, jnp.float32))
            payb2[b, i, pl.ds(0, 16)] = jnp.where(lane == 0, pv, psv)
            payb2[b, i, pl.ds(16, 16)] = pv * z0
            payb2[b, i, pl.ds(32, 16)] = pv * z1
            payb2[b, i, pl.ds(48, 16)] = psv * z0
            payb2[b, i, pl.ds(64, 16)] = psv * z1
            payb2[b, i, pl.ds(80, 16)] = pv * ea0

        pltpu.async_copy(payb2.at[b], acc_sh.at[didx_all.at[k]], sem_sc,
                         add=True)

        @pl.when(k + 2 < NBLK)
        def _prefetch():
            issue_gathers(k + 2, b)

    lax.fori_loop(0, NBLK + 2, blk_body, 0)
    plsc.subcore_barrier()

    pltpu.sync_copy(acc_sh.at[pl.ds(sid * RPT, RPT)],
                    out_hbm.at[cid, pl.ds(sid * RPT, RPT)])


def _post_body(acc_ref, wedge_ref, b3_ref, out_ref):
    acc = acc_ref[0] + acc_ref[1]
    se = acc[:, 0:1]
    ses = acc[:, 1:2]
    am = acc[:, 16:48]
    bm = acc[:, 48:80]
    pm = acc[:, 80:96]
    de = 1.0 / (se + 1e-16)
    ds = 1.0 / (ses + 1e-16)
    cm = jnp.dot(pm, wedge_ref[...], preferred_element_type=jnp.float32)
    cm = cm + se * b3_ref[3][None, :]
    out_ref[...] = (am * de) * (bm * ds) + cm * de


def kernel(x, edge_index, edge_attr, W_fc, b_fc, W_attn, b_attn, W_edge,
           b_edge, W_ea, b_ea, W_q, b_q, W_s, b_s):
    f32 = jnp.float32
    wa12 = jnp.concatenate([W_attn[0:DO], W_attn[DO:2 * DO]], axis=1)
    wa3 = W_attn[2 * DO:]
    c = (W_ea @ wa3)[:, 0]
    wconst = (b_ea @ wa3)[0] + b_attn[0]
    cw = jnp.stack([c, jnp.concatenate([wconst[None],
                                        jnp.zeros((15,), f32)])])
    wrow = jnp.concatenate([wconst[None], jnp.zeros((31,), f32)])
    b3 = jnp.concatenate([jnp.stack([b_fc, b_q, b_s, b_edge, wrow]),
                          jnp.zeros((3, DO), f32)])

    src_tab, dst_tab = pl.pallas_call(
        _nodes_body,
        grid=(N // RB,),
        in_specs=[
            pl.BlockSpec((RB, DI), lambda i: (i, 0)),
            pl.BlockSpec((DI, DO), lambda i: (0, 0)),
            pl.BlockSpec((DO, DO), lambda i: (0, 0)),
            pl.BlockSpec((DO, DO), lambda i: (0, 0)),
            pl.BlockSpec((DO, 2), lambda i: (0, 0)),
            pl.BlockSpec((8, DO), lambda i: (0, 0)),
        ],
        out_specs=[
            pl.BlockSpec((RB, 80), lambda i: (i, 0)),
            pl.BlockSpec((RB, 48), lambda i: (i, 0)),
        ],
        out_shape=[
            jax.ShapeDtypeStruct((N, 80), f32),
            jax.ShapeDtypeStruct((N, 48), f32),
        ],
    )(x, W_fc, W_q, W_s, wa12, b3)

    mesh = plsc.VectorSubcoreMesh(core_axis_name="c", subcore_axis_name="s",
                                  num_cores=NC, num_subcores=NS)
    sck = functools.partial(
        pl.kernel,
        out_type=jax.ShapeDtypeStruct((NC, NPAD, ACCW), f32),
        mesh=mesh,
        compiler_params=pltpu.CompilerParams(use_tc_tiling_on_sc=False,
                                             needs_layout_passes=False),
        scratch_types=[
            pltpu.VMEM_SHARED((NPAD, ACCW), f32),
            pltpu.VMEM((2, 16), f32),
            pltpu.VMEM((NBLK, BLK), jnp.int32),
            pltpu.VMEM((NBLK, BLK), jnp.int32),
            pltpu.VMEM((2, BLK, 80), f32),
            pltpu.VMEM((2, BLK, 48), f32),
            pltpu.VMEM((2, BLK, DE), f32),
            pltpu.VMEM((2, BLK, ACCW), f32),
            pltpu.SemaphoreType.DMA,
            pltpu.SemaphoreType.DMA,
            pltpu.SemaphoreType.DMA,
            pltpu.SemaphoreType.DMA,
        ],
    )(_sc_body)

    zinit = jnp.zeros((NPAD, ACCW), f32)
    sidx3 = edge_index[0].reshape(NW, NBLK, BLK)
    didx3 = edge_index[1].reshape(NW, NBLK, BLK)
    acc = sck(src_tab, dst_tab, edge_attr, cw, sidx3, didx3, zinit)

    h = pl.pallas_call(
        _post_body,
        grid=(N // RB,),
        in_specs=[
            pl.BlockSpec((NC, RB, ACCW), lambda i: (0, i, 0)),
            pl.BlockSpec((DE, DO), lambda i: (0, 0)),
            pl.BlockSpec((8, DO), lambda i: (0, 0)),
        ],
        out_specs=pl.BlockSpec((RB, DO), lambda i: (i, 0)),
        out_shape=jax.ShapeDtypeStruct((N, DO), f32),
    )(acc, W_edge, b3)
    return h

# --- scband reference (transcript-rebuilt; emitter-appended) ---
"""Pipeline reference for scband-egretlayer-84542136254807 (READ-ONLY COPY).

The authoritative reference and input builder live on the scoring server;
editing this copy changes nothing except your own understanding.
"""

import jax, jax.numpy as jnp
import numpy as np

N, E, DI, DO, DE = 10000, 320000, 128, 32, 16

def _seg_softmax(e, seg, n):
    m = jax.ops.segment_max(e, seg, num_segments=n)
    m = jnp.where(jnp.isfinite(m), m, 0.0)
    ex = jnp.exp(e - m[seg])
    s = jax.ops.segment_sum(ex, seg, num_segments=n)
    return ex / (s[seg] + 1e-16)

def setup_inputs(seed: int = 0):
    key = jax.random.key(seed)
    ks = jax.random.split(key, 16)
    inp = {}
    inp["x"] = jax.random.normal(ks[0], (N, DI), dtype=jnp.float32)
    inp["edge_index"] = jax.random.randint(ks[1], (2, E), 0, N, dtype=jnp.int32)
    inp["edge_attr"] = jax.random.normal(ks[2], (E, DE), dtype=jnp.float32)
    inp["W_fc"] = jax.random.normal(ks[3], (DI, DO), dtype=jnp.float32) / np.sqrt(DI)
    inp["b_fc"] = jnp.zeros((DO,), dtype=jnp.float32)
    inp["W_attn"] = jax.random.normal(ks[4], (2 * DO + DE, 1), dtype=jnp.float32) / np.sqrt(2 * DO + DE)
    inp["b_attn"] = jnp.zeros((1,), dtype=jnp.float32)
    inp["W_edge"] = jax.random.normal(ks[5], (DE, DO), dtype=jnp.float32) / np.sqrt(DE)
    inp["b_edge"] = jnp.zeros((DO,), dtype=jnp.float32)
    inp["W_ea"] = jax.random.normal(ks[6], (DE, DE), dtype=jnp.float32) / np.sqrt(DE)
    inp["b_ea"] = jnp.zeros((DE,), dtype=jnp.float32)
    inp["W_q"] = jax.random.normal(ks[7], (DO, DO), dtype=jnp.float32) / np.sqrt(DO)
    inp["b_q"] = jnp.zeros((DO,), dtype=jnp.float32)
    inp["W_s"] = jax.random.normal(ks[8], (DO, DO), dtype=jnp.float32) / np.sqrt(DO)
    inp["b_s"] = jnp.zeros((DO,), dtype=jnp.float32)
    return inp

def reference(x, edge_index, edge_attr, W_fc, b_fc, W_attn, b_attn, W_edge, b_edge, W_ea, b_ea, W_q, b_q, W_s, b_s):
    n = x.shape[0]
    src = edge_index[0]
    dst = edge_index[1]
    # node transform (batch norm disabled -> identity)
    z = x @ W_fc + b_fc
    z_src = z[src]
    z_dst = z[dst]
    # edge-dependent attention with transformed edge features
    ex_t = edge_attr @ W_ea + b_ea
    z2 = jnp.concatenate([z_src, z_dst, ex_t], axis=1)
    a = z2 @ W_attn + b_attn
    e = jnp.where(a >= 0, a, 0.2 * a)  # leaky_relu(0.2)
    # edge aggregation features
    ez = edge_attr @ W_edge + b_edge
    # similar_node: conv1d(k=1) == linear; per-edge dot(query(src), support(dst))
    q = z_src @ W_q + b_q
    s = z_dst @ W_s + b_s
    es = jnp.sum(q * s, axis=1, keepdims=True)
    # per-destination softmax (edge softmax)
    alpha = _seg_softmax(e, dst, n)
    sim = _seg_softmax(es, dst, n)
    h1 = jax.ops.segment_sum(alpha * z_src, dst, num_segments=n)
    h2 = jax.ops.segment_sum(sim * z_src, dst, num_segments=n)
    h = h1 * h2
    h = h + jax.ops.segment_sum(alpha * ez, dst, num_segments=n)
    return h

if __name__ == "__main__":
    import jax
    _d = setup_inputs()
    print(jax.jit(kernel)(*tuple(_d.values())))

</pallas_src>

<mosaic_0001>
#map = affine_map<(d0, d1) -> (0, 0)>
#map1 = affine_map<(d0, d1) -> (0, 0, 0)>
module attributes {stable_mosaic.version = 14 : i64} {
  func.func @_sc_body(%arg0: i32, %arg1: i32, %arg2: memref<10000x80xf32, #tpu.memory_space<hbm>>, %arg3: memref<10000x48xf32, #tpu.memory_space<hbm>>, %arg4: memref<320000x16xf32, #tpu.memory_space<hbm>>, %arg5: memref<2x16xf32, #tpu.memory_space<hbm>>, %arg6: memref<32x125x80xi32, #tpu.memory_space<hbm>>, %arg7: memref<32x125x80xi32, #tpu.memory_space<hbm>>, %arg8: memref<10240x96xf32, #tpu.memory_space<hbm>>, %arg9: memref<2x10240x96xf32, #tpu.memory_space<hbm>>, %arg10: memref<10240x96xf32, #tpu.memory_space<vmem_shared>>, %arg11: memref<2x16xf32, #tpu.memory_space<vmem>>, %arg12: memref<125x80xi32, #tpu.memory_space<vmem>>, %arg13: memref<125x80xi32, #tpu.memory_space<vmem>>, %arg14: memref<2x80x80xf32, #tpu.memory_space<vmem>>, %arg15: memref<2x80x48xf32, #tpu.memory_space<vmem>>, %arg16: memref<2x80x16xf32, #tpu.memory_space<vmem>>, %arg17: memref<2x80x96xf32, #tpu.memory_space<vmem>>, %arg18: memref<!tpu.dma_semaphore, #tpu.memory_space<semaphore_mem>>, %arg19: memref<!tpu.dma_semaphore, #tpu.memory_space<semaphore_mem>>, %arg20: memref<!tpu.dma_semaphore, #tpu.memory_space<semaphore_mem>>, %arg21: memref<!tpu.dma_semaphore, #tpu.memory_space<semaphore_mem>>) attributes {dimension_semantics = [#tpu.dimension_semantics<core_parallel>, #tpu.dimension_semantics<subcore_parallel>], iteration_bounds = array<i64: 2, 16>, scalar_prefetch = 0 : i64, scratch_operands = 12 : i64, tpu.core_type = #tpu.core_type<sc_vector_subcore>, window_params = [{transform_indices = #map}, {transform_indices = #map}, {transform_indices = #map}, {transform_indices = #map}, {transform_indices = #map1}, {transform_indices = #map1}, {transform_indices = #map}, {transform_indices = #map1}]} {
    %mul3A = arith.constant 2 : i32
    %mul3A_0 = arith.muli %arg1, %mul3A : i32
    %add3A = arith.addi %mul3A_0, %arg0 : i32
    %mul3A_1 = arith.constant 640 : i32
    %mul3A_2 = arith.muli %arg1, %mul3A_1 : i32
    %mul3A_3 = arith.constant 640 : i32
    %mul3A_4 = arith.muli %arg1, %mul3A_3 : i32
    "tpu.region"() ({
      %run_scoped3A = tpu.sem_alloc : memref<!tpu.dma_semaphore, #tpu.memory_space<semaphore_mem>>
      %dma_start3A_94 = arith.constant 0 : i32
      %dma_start3A_95 = tpu.memref_slice %arg10[%mul3A_4, %dma_start3A_94] : memref<10240x96xf32, #tpu.memory_space<vmem_shared>> -> memref<640x96xf32, #tpu.memory_space<vmem_shared>>
      %dma_start3A_96 = arith.constant 0 : i32
      %dma_start3A_97 = tpu.memref_slice %arg8[%mul3A_2, %dma_start3A_96] : memref<10240x96xf32, #tpu.memory_space<hbm>> -> memref<640x96xf32, #tpu.memory_space<hbm>>
      tpu.enqueue_dma source(%dma_start3A_97 : memref<640x96xf32, #tpu.memory_space<hbm>>) target(%dma_start3A_95 : memref<640x96xf32, #tpu.memory_space<vmem_shared>>) target_semaphore(%run_scoped3A : memref<!tpu.dma_semaphore, #tpu.memory_space<semaphore_mem>>)
      %dma_wait3A = arith.constant 0 : i32
      %dma_wait3A_98 = tpu.memref_slice %arg10[%mul3A_4, %dma_wait3A] : memref<10240x96xf32, #tpu.memory_space<vmem_shared>> -> memref<640x96xf32, #tpu.memory_space<vmem_shared>>
      %dma_wait3A_99 = arith.constant 0 : i32
      %dma_wait3A_100 = tpu.memref_slice %arg8[%mul3A_2, %dma_wait3A_99] : memref<10240x96xf32, #tpu.memory_space<hbm>> -> memref<640x96xf32, #tpu.memory_space<hbm>>
      tpu.wait_dma2 semaphore(%run_scoped3A : memref<!tpu.dma_semaphore, #tpu.memory_space<semaphore_mem>>) src(%dma_wait3A_100 : memref<640x96xf32, #tpu.memory_space<hbm>>) dst(%dma_wait3A_98 : memref<640x96xf32, #tpu.memory_space<vmem_shared>>)
      tpu.yield
    }) : () -> ()
    "tpu.region"() ({
      %run_scoped3A = tpu.sem_alloc : memref<!tpu.dma_semaphore, #tpu.memory_space<semaphore_mem>>
      %dma_start3A_94 = arith.constant 0 : i32
      %dma_start3A_95 = arith.constant 0 : i32
      %dma_start3A_96 = tpu.memref_slice %arg6[%add3A, %dma_start3A_94, %dma_start3A_95] : memref<32x125x80xi32, #tpu.memory_space<hbm>> -> memref<1x125x80xi32, #tpu.memory_space<hbm>>
      %dma_start3A_97 = tpu.memref_squeeze %dma_start3A_96 : memref<1x125x80xi32, #tpu.memory_space<hbm>> -> memref<125x80xi32, #tpu.memory_space<hbm>>
      %dma_start3A_98 = arith.constant 0 : i32
      %dma_start3A_99 = arith.constant 0 : i32
      %dma_start3A_100 = tpu.memref_slice %arg6[%add3A, %dma_start3A_98, %dma_start3A_99] : memref<32x125x80xi32, #tpu.memory_space<hbm>> -> memref<1x125x80xi32, #tpu.memory_space<hbm>>
      %dma_start3A_101 = tpu.memref_squeeze %dma_start3A_100 : memref<1x125x80xi32, #tpu.memory_space<hbm>> -> memref<125x80xi32, #tpu.memory_space<hbm>>
      tpu.enqueue_dma source(%dma_start3A_101 : memref<125x80xi32, #tpu.memory_space<hbm>>) target(%arg12 : memref<125x80xi32, #tpu.memory_space<vmem>>) target_semaphore(%run_scoped3A : memref<!tpu.dma_semaphore, #tpu.memory_space<semaphore_mem>>)
      %dma_wait3A = arith.constant 0 : i32
      %dma_wait3A_102 = arith.constant 0 : i32
      %dma_wait3A_103 = tpu.memref_slice %arg6[%add3A, %dma_wait3A, %dma_wait3A_102] : memref<32x125x80xi32, #tpu.memory_space<hbm>> -> memref<1x125x80xi32, #tpu.memory_space<hbm>>
      %dma_wait3A_104 = tpu.memref_squeeze %dma_wait3A_103 : memref<1x125x80xi32, #tpu.memory_space<hbm>> -> memref<125x80xi32, #tpu.memory_space<hbm>>
      %dma_wait3A_105 = arith.constant 0 : i32
      %dma_wait3A_106 = arith.constant 0 : i32
      %dma_wait3A_107 = tpu.memref_slice %arg6[%add3A, %dma_wait3A_105, %dma_wait3A_106] : memref<32x125x80xi32, #tpu.memory_space<hbm>> -> memref<1x125x80xi32, #tpu.memory_space<hbm>>
      %dma_wait3A_108 = tpu.memref_squeeze %dma_wait3A_107 : memref<1x125x80xi32, #tpu.memory_space<hbm>> -> memref<125x80xi32, #tpu.memory_space<hbm>>
      tpu.wait_dma2 semaphore(%run_scoped3A : memref<!tpu.dma_semaphore, #tpu.memory_space<semaphore_mem>>) src(%dma_wait3A_108 : memref<125x80xi32, #tpu.memory_space<hbm>>) dst(%arg12 : memref<125x80xi32, #tpu.memory_space<vmem>>)
      tpu.yield
    }) : () -> ()
    "tpu.region"() ({
      %run_scoped3A = tpu.sem_alloc : memref<!tpu.dma_semaphore, #tpu.memory_space<semaphore_mem>>
      %dma_start3A_94 = arith.constant 0 : i32
      %dma_start3A_95 = arith.constant 0 : i32
      %dma_start3A_96 = tpu.memref_slice %arg7[%add3A, %dma_start3A_94, %dma_start3A_95] : memref<32x125x80xi32, #tpu.memory_space<hbm>> -> memref<1x125x80xi32, #tpu.memory_space<hbm>>
      %dma_start3A_97 = tpu.memref_squeeze %dma_start3A_96 : memref<1x125x80xi32, #tpu.memory_space<hbm>> -> memref<125x80xi32, #tpu.memory_space<hbm>>
      %dma_start3A_98 = arith.constant 0 : i32
      %dma_start3A_99 = arith.constant 0 : i32
      %dma_start3A_100 = tpu.memref_slice %arg7[%add3A, %dma_start3A_98, %dma_start3A_99] : memref<32x125x80xi32, #tpu.memory_space<hbm>> -> memref<1x125x80xi32, #tpu.memory_space<hbm>>
      %dma_start3A_101 = tpu.memref_squeeze %dma_start3A_100 : memref<1x125x80xi32, #tpu.memory_space<hbm>> -> memref<125x80xi32, #tpu.memory_space<hbm>>
      tpu.enqueue_dma source(%dma_start3A_101 : memref<125x80xi32, #tpu.memory_space<hbm>>) target(%arg13 : memref<125x80xi32, #tpu.memory_space<vmem>>) target_semaphore(%run_scoped3A : memref<!tpu.dma_semaphore, #tpu.memory_space<semaphore_mem>>)
      %dma_wait3A = arith.constant 0 : i32
      %dma_wait3A_102 = arith.constant 0 : i32
      %dma_wait3A_103 = tpu.memref_slice %arg7[%add3A, %dma_wait3A, %dma_wait3A_102] : memref<32x125x80xi32, #tpu.memory_space<hbm>> -> memref<1x125x80xi32, #tpu.memory_space<hbm>>
      %dma_wait3A_104 = tpu.memref_squeeze %dma_wait3A_103 : memref<1x125x80xi32, #tpu.memory_space<hbm>> -> memref<125x80xi32, #tpu.memory_space<hbm>>
      %dma_wait3A_105 = arith.constant 0 : i32
      %dma_wait3A_106 = arith.constant 0 : i32
      %dma_wait3A_107 = tpu.memref_slice %arg7[%add3A, %dma_wait3A_105, %dma_wait3A_106] : memref<32x125x80xi32, #tpu.memory_space<hbm>> -> memref<1x125x80xi32, #tpu.memory_space<hbm>>
      %dma_wait3A_108 = tpu.memref_squeeze %dma_wait3A_107 : memref<1x125x80xi32, #tpu.memory_space<hbm>> -> memref<125x80xi32, #tpu.memory_space<hbm>>
      tpu.wait_dma2 semaphore(%run_scoped3A : memref<!tpu.dma_semaphore, #tpu.memory_space<semaphore_mem>>) src(%dma_wait3A_108 : memref<125x80xi32, #tpu.memory_space<hbm>>) dst(%arg13 : memref<125x80xi32, #tpu.memory_space<vmem>>)
      tpu.yield
    }) : () -> ()
    "tpu.region"() ({
      %run_scoped3A = tpu.sem_alloc : memref<!tpu.dma_semaphore, #tpu.memory_space<semaphore_mem>>
      tpu.enqueue_dma source(%arg5 : memref<2x16xf32, #tpu.memory_space<hbm>>) target(%arg11 : memref<2x16xf32, #tpu.memory_space<vmem>>) target_semaphore(%run_scoped3A : memref<!tpu.dma_semaphore, #tpu.memory_space<semaphore_mem>>)
      tpu.wait_dma2 semaphore(%run_scoped3A : memref<!tpu.dma_semaphore, #tpu.memory_space<semaphore_mem>>) src(%arg5 : memref<2x16xf32, #tpu.memory_space<hbm>>) dst(%arg11 : memref<2x16xf32, #tpu.memory_space<vmem>>)
      tpu.yield
    }) : () -> ()
    %barrier3A = arith.constant 0 : index
    tpu.barrier barrier_id(%barrier3A)
    %mul3A_5 = arith.constant 10000 : i32
    %mul3A_6 = arith.muli %add3A, %mul3A_5 : i32
    %dma_start3A = arith.constant 0 : i32
    %dma_start3A_7 = arith.constant 0 : i32
    %dma_start3A_8 = arith.constant 0 : i32
    %dma_start3A_9 = arith.constant 0 : i32
    %dma_start3A_10 = tpu.memref_slice %arg14[%dma_start3A_7, %dma_start3A_8, %dma_start3A_9] : memref<2x80x80xf32, #tpu.memory_space<vmem>> -> memref<1x80x80xf32, #tpu.memory_space<vmem>>
    %dma_start3A_11 = tpu.memref_squeeze %dma_start3A_10 : memref<1x80x80xf32, #tpu.memory_space<vmem>> -> memref<80x80xf32, #tpu.memory_space<vmem>>
    %dma_start3A_12 = arith.constant 0 : i32
    %dma_start3A_13 = tpu.memref_slice %arg12[%dma_start3A, %dma_start3A_12] : memref<125x80xi32, #tpu.memory_space<vmem>> -> memref<1x80xi32, #tpu.memory_space<vmem>>
    %dma_start3A_14 = tpu.memref_squeeze %dma_start3A_13 : memref<1x80xi32, #tpu.memory_space<vmem>> -> memref<80xi32, #tpu.memory_space<vmem>>
    %dma_start3A_15 = arith.constant 0 : i32
    %dma_start3A_16 = arith.constant 0 : i32
    %dma_start3A_17 = tpu.memref_slice %arg2[%dma_start3A_15, %dma_start3A_16] : memref<10000x80xf32, #tpu.memory_space<hbm>> -> memref<10000x80xf32, #tpu.memory_space<hbm>>
    tpu.enqueue_indirect_dma source(%dma_start3A_17 : memref<10000x80xf32, #tpu.memory_space<hbm>>) target(%dma_start3A_11 : memref<80x80xf32, #tpu.memory_space<vmem>>) offsets(%dma_start3A_14 : memref<80xi32, #tpu.memory_space<vmem>>) semaphore(%arg18 : memref<!tpu.dma_semaphore, #tpu.memory_space<semaphore_mem>>)
    %dma_start3A_18 = arith.constant 0 : i32
    %dma_start3A_19 = arith.constant 0 : i32
    %dma_start3A_20 = arith.constant 0 : i32
    %dma_start3A_21 = arith.constant 0 : i32
    %dma_start3A_22 = tpu.memref_slice %arg15[%dma_start3A_19, %dma_start3A_20, %dma_start3A_21] : memref<2x80x48xf32, #tpu.memory_space<vmem>> -> memref<1x80x48xf32, #tpu.memory_space<vmem>>
    %dma_start3A_23 = tpu.memref_squeeze %dma_start3A_22 : memref<1x80x48xf32, #tpu.memory_space<vmem>> -> memref<80x48xf32, #tpu.memory_space<vmem>>
    %dma_start3A_24 = arith.constant 0 : i32
    %dma_start3A_25 = tpu.memref_slice %arg13[%dma_start3A_18, %dma_start3A_24] : memref<125x80xi32, #tpu.memory_space<vmem>> -> memref<1x80xi32, #tpu.memory_space<vmem>>
    %dma_start3A_26 = tpu.memref_squeeze %dma_start3A_25 : memref<1x80xi32, #tpu.memory_space<vmem>> -> memref<80xi32, #tpu.memory_space<vmem>>
    %dma_start3A_27 = arith.constant 0 : i32
    %dma_start3A_28 = arith.constant 0 : i32
    %dma_start3A_29 = tpu.memref_slice %arg3[%dma_start3A_27, %dma_start3A_28] : memref<10000x48xf32, #tpu.memory_space<hbm>> -> memref<10000x48xf32, #tpu.memory_space<hbm>>
    tpu.enqueue_indirect_dma source(%dma_start3A_29 : memref<10000x48xf32, #tpu.memory_space<hbm>>) target(%dma_start3A_23 : memref<80x48xf32, #tpu.memory_space<vmem>>) offsets(%dma_start3A_26 : memref<80xi32, #tpu.memory_space<vmem>>) semaphore(%arg19 : memref<!tpu.dma_semaphore, #tpu.memory_space<semaphore_mem>>)
    %add3A_30 = arith.constant 0 : i32
    %add3A_31 = arith.addi %mul3A_6, %add3A_30 : i32
    %dma_start3A_32 = arith.constant 0 : i32
    %dma_start3A_33 = arith.constant 0 : i32
    %dma_start3A_34 = arith.constant 0 : i32
    %dma_start3A_35 = tpu.memref_slice %arg16[%dma_start3A_32, %dma_start3A_33, %dma_start3A_34] : memref<2x80x16xf32, #tpu.memory_space<vmem>> -> memref<1x80x16xf32, #tpu.memory_space<vmem>>
    %dma_start3A_36 = tpu.memref_squeeze %dma_start3A_35 : memref<1x80x16xf32, #tpu.memory_space<vmem>> -> memref<80x16xf32, #tpu.memory_space<vmem>>
    %dma_start3A_37 = arith.constant 0 : i32
    %dma_start3A_38 = tpu.memref_slice %arg4[%add3A_31, %dma_start3A_37] : memref<320000x16xf32, #tpu.memory_space<hbm>> -> memref<80x16xf32, #tpu.memory_space<hbm>>
    %dma_start3A_39 = arith.constant 0 : i32
    %dma_start3A_40 = arith.constant 0 : i32
    %dma_start3A_41 = tpu.memref_slice %arg16[%dma_start3A_32, %dma_start3A_39, %dma_start3A_40] : memref<2x80x16xf32, #tpu.memory_space<vmem>> -> memref<1x80x16xf32, #tpu.memory_space<vmem>>
    %dma_start3A_42 = tpu.memref_squeeze %dma_start3A_41 : memref<1x80x16xf32, #tpu.memory_space<vmem>> -> memref<80x16xf32, #tpu.memory_space<vmem>>
    %dma_start3A_43 = arith.constant 0 : i32
    %dma_start3A_44 = tpu.memref_slice %arg4[%add3A_31, %dma_start3A_43] : memref<320000x16xf32, #tpu.memory_space<hbm>> -> memref<80x16xf32, #tpu.memory_space<hbm>>
    tpu.enqueue_dma source(%dma_start3A_44 : memref<80x16xf32, #tpu.memory_space<hbm>>) target(%dma_start3A_42 : memref<80x16xf32, #tpu.memory_space<vmem>>) target_semaphore(%arg20 : memref<!tpu.dma_semaphore, #tpu.memory_space<semaphore_mem>>)
    %dma_start3A_45 = arith.constant 1 : i32
    %dma_start3A_46 = arith.constant 1 : i32
    %dma_start3A_47 = arith.constant 0 : i32
    %dma_start3A_48 = arith.constant 0 : i32
    %dma_start3A_49 = tpu.memref_slice %arg14[%dma_start3A_46, %dma_start3A_47, %dma_start3A_48] : memref<2x80x80xf32, #tpu.memory_space<vmem>> -> memref<1x80x80xf32, #tpu.memory_space<vmem>>
    %dma_start3A_50 = tpu.memref_squeeze %dma_start3A_49 : memref<1x80x80xf32, #tpu.memory_space<vmem>> -> memref<80x80xf32, #tpu.memory_space<vmem>>
    %dma_start3A_51 = arith.constant 0 : i32
    %dma_start3A_52 = tpu.memref_slice %arg12[%dma_start3A_45, %dma_start3A_51] : memref<125x80xi32, #tpu.memory_space<vmem>> -> memref<1x80xi32, #tpu.memory_space<vmem>>
    %dma_start3A_53 = tpu.memref_squeeze %dma_start3A_52 : memref<1x80xi32, #tpu.memory_space<vmem>> -> memref<80xi32, #tpu.memory_space<vmem>>
    %dma_start3A_54 = arith.constant 0 : i32
    %dma_start3A_55 = arith.constant 0 : i32
    %dma_start3A_56 = tpu.memref_slice %arg2[%dma_start3A_54, %dma_start3A_55] : memref<10000x80xf32, #tpu.memory_space<hbm>> -> memref<10000x80xf32, #tpu.memory_space<hbm>>
    tpu.enqueue_indirect_dma source(%dma_start3A_56 : memref<10000x80xf32, #tpu.memory_space<hbm>>) target(%dma_start3A_50 : memref<80x80xf32, #tpu.memory_space<vmem>>) offsets(%dma_start3A_53 : memref<80xi32, #tpu.memory_space<vmem>>) semaphore(%arg18 : memref<!tpu.dma_semaphore, #tpu.memory_space<semaphore_mem>>)
    %dma_start3A_57 = arith.constant 1 : i32
    %dma_start3A_58 = arith.constant 1 : i32
    %dma_start3A_59 = arith.constant 0 : i32
    %dma_start3A_60 = arith.constant 0 : i32
    %dma_start3A_61 = tpu.memref_slice %arg15[%dma_start3A_58, %dma_start3A_59, %dma_start3A_60] : memref<2x80x48xf32, #tpu.memory_space<vmem>> -> memref<1x80x48xf32, #tpu.memory_space<vmem>>
    %dma_start3A_62 = tpu.memref_squeeze %dma_start3A_61 : memref<1x80x48xf32, #tpu.memory_space<vmem>> -> memref<80x48xf32, #tpu.memory_space<vmem>>
    %dma_start3A_63 = arith.constant 0 : i32
    %dma_start3A_64 = tpu.memref_slice %arg13[%dma_start3A_57, %dma_start3A_63] : memref<125x80xi32, #tpu.memory_space<vmem>> -> memref<1x80xi32, #tpu.memory_space<vmem>>
    %dma_start3A_65 = tpu.memref_squeeze %dma_start3A_64 : memref<1x80xi32, #tpu.memory_space<vmem>> -> memref<80xi32, #tpu.memory_space<vmem>>
    %dma_start3A_66 = arith.constant 0 : i32
    %dma_start3A_67 = arith.constant 0 : i32
    %dma_start3A_68 = tpu.memref_slice %arg3[%dma_start3A_66, %dma_start3A_67] : memref<10000x48xf32, #tpu.memory_space<hbm>> -> memref<10000x48xf32, #tpu.memory_space<hbm>>
    tpu.enqueue_indirect_dma source(%dma_start3A_68 : memref<10000x48xf32, #tpu.memory_space<hbm>>) target(%dma_start3A_62 : memref<80x48xf32, #tpu.memory_space<vmem>>) offsets(%dma_start3A_65 : memref<80xi32, #tpu.memory_space<vmem>>) semaphore(%arg19 : memref<!tpu.dma_semaphore, #tpu.memory_space<semaphore_mem>>)
    %add3A_69 = arith.constant 80 : i32
    %add3A_70 = arith.addi %mul3A_6, %add3A_69 : i32
    %dma_start3A_71 = arith.constant 1 : i32
    %dma_start3A_72 = arith.constant 0 : i32
    %dma_start3A_73 = arith.constant 0 : i32
    %dma_start3A_74 = tpu.memref_slice %arg16[%dma_start3A_71, %dma_start3A_72, %dma_start3A_73] : memref<2x80x16xf32, #tpu.memory_space<vmem>> -> memref<1x80x16xf32, #tpu.memory_space<vmem>>
    %dma_start3A_75 = tpu.memref_squeeze %dma_start3A_74 : memref<1x80x16xf32, #tpu.memory_space<vmem>> -> memref<80x16xf32, #tpu.memory_space<vmem>>
    %dma_start3A_76 = arith.constant 0 : i32
    %dma_start3A_77 = tpu.memref_slice %arg4[%add3A_70, %dma_start3A_76] : memref<320000x16xf32, #tpu.memory_space<hbm>> -> memref<80x16xf32, #tpu.memory_space<hbm>>
    %dma_start3A_78 = arith.constant 0 : i32
    %dma_start3A_79 = arith.constant 0 : i32
    %dma_start3A_80 = tpu.memref_slice %arg16[%dma_start3A_71, %dma_start3A_78, %dma_start3A_79] : memref<2x80x16xf32, #tpu.memory_space<vmem>> -> memref<1x80x16xf32, #tpu.memory_space<vmem>>
    %dma_start3A_81 = tpu.memref_squeeze %dma_start3A_80 : memref<1x80x16xf32, #tpu.memory_space<vmem>> -> memref<80x16xf32, #tpu.memory_space<vmem>>
    %dma_start3A_82 = arith.constant 0 : i32
    %dma_start3A_83 = tpu.memref_slice %arg4[%add3A_70, %dma_start3A_82] : memref<320000x16xf32, #tpu.memory_space<hbm>> -> memref<80x16xf32, #tpu.memory_space<hbm>>
    tpu.enqueue_dma source(%dma_start3A_83 : memref<80x16xf32, #tpu.memory_space<hbm>>) target(%dma_start3A_81 : memref<80x16xf32, #tpu.memory_space<vmem>>) target_semaphore(%arg20 : memref<!tpu.dma_semaphore, #tpu.memory_space<semaphore_mem>>)
    %scan3A = arith.constant 0 : i32
    %scan3A_84 = arith.constant 0 : i32
    %scan3A_85 = arith.constant 127 : i32
    %scan3A_86 = arith.addi %scan3A_84, %scan3A_85 : i32
    %scan3A_87 = arith.constant 1 : i32
    scf.for %scan3A_94 = %scan3A_84 to %scan3A_86 step %scan3A_87  : i32 {
      %rem3A = arith.constant 2 : i32
      %rem3A_95 = arith.remsi %scan3A_94, %rem3A : i32
      %ge3A = arith.constant 2 : i32
      %ge3A_96 = arith.cmpi sge, %scan3A_94, %ge3A : i32
      %convert_element_type3A = arith.extui %ge3A_96 : i1 to i32
      %cond3A = arith.constant 0 : i32
      %cond3A_97 = arith.cmpi ne, %convert_element_type3A, %cond3A : i32
      scf.if %cond3A_97 {
        %sub3A = arith.constant 2 : i32
        %sub3A_102 = arith.subi %scan3A_94, %sub3A : i32
        %dma_wait3A = arith.constant 0 : i32
        %dma_wait3A_103 = arith.constant 0 : i32
        %dma_wait3A_104 = tpu.memref_slice %arg17[%rem3A_95, %dma_wait3A, %dma_wait3A_103] : memref<2x80x96xf32, #tpu.memory_space<vmem>> -> memref<1x80x96xf32, #tpu.memory_space<vmem>>
        %dma_wait3A_105 = tpu.memref_squeeze %dma_wait3A_104 : memref<1x80x96xf32, #tpu.memory_space<vmem>> -> memref<80x96xf32, #tpu.memory_space<vmem>>
        %dma_wait3A_106 = arith.constant 0 : i32
        %dma_wait3A_107 = tpu.memref_slice %arg13[%sub3A_102, %dma_wait3A_106] : memref<125x80xi32, #tpu.memory_space<vmem>> -> memref<1x80xi32, #tpu.memory_space<vmem>>
        %dma_wait3A_108 = tpu.memref_squeeze %dma_wait3A_107 : memref<1x80xi32, #tpu.memory_space<vmem>> -> memref<80xi32, #tpu.memory_space<vmem>>
        %dma_wait3A_109 = arith.constant 0 : i32
        %dma_wait3A_110 = arith.constant 0 : i32
        %dma_wait3A_111 = tpu.memref_slice %arg10[%dma_wait3A_109, %dma_wait3A_110] : memref<10240x96xf32, #tpu.memory_space<vmem_shared>> -> memref<10240x96xf32, #tpu.memory_space<vmem_shared>>
        tpu.wait_indirect_dma semaphore(%arg21 : memref<!tpu.dma_semaphore, #tpu.memory_space<semaphore_mem>>) src(%dma_wait3A_105 : memref<80x96xf32, #tpu.memory_space<vmem>>) dst(%dma_wait3A_111 : memref<10240x96xf32, #tpu.memory_space<vmem_shared>>)
      } else {
      }
      %lt3A = arith.constant 125 : i32
      %lt3A_98 = arith.cmpi slt, %scan3A_94, %lt3A : i32
      %convert_element_type3A_99 = arith.extui %lt3A_98 : i1 to i32
      %cond3A_100 = arith.constant 0 : i32
      %cond3A_101 = arith.cmpi ne, %convert_element_type3A_99, %cond3A_100 : i32
      scf.if %cond3A_101 {
        %dma_wait3A = arith.constant 0 : i32
        %dma_wait3A_102 = arith.constant 0 : i32
        %dma_wait3A_103 = tpu.memref_slice %arg14[%rem3A_95, %dma_wait3A, %dma_wait3A_102] : memref<2x80x80xf32, #tpu.memory_space<vmem>> -> memref<1x80x80xf32, #tpu.memory_space<vmem>>
        %dma_wait3A_104 = tpu.memref_squeeze %dma_wait3A_103 : memref<1x80x80xf32, #tpu.memory_space<vmem>> -> memref<80x80xf32, #tpu.memory_space<vmem>>
        %dma_wait3A_105 = arith.constant 0 : i32
        %dma_wait3A_106 = tpu.memref_slice %arg12[%scan3A_94, %dma_wait3A_105] : memref<125x80xi32, #tpu.memory_space<vmem>> -> memref<1x80xi32, #tpu.memory_space<vmem>>
        %dma_wait3A_107 = tpu.memref_squeeze %dma_wait3A_106 : memref<1x80xi32, #tpu.memory_space<vmem>> -> memref<80xi32, #tpu.memory_space<vmem>>
        %dma_wait3A_108 = arith.constant 0 : i32
        %dma_wait3A_109 = arith.constant 0 : i32
        %dma_wait3A_110 = tpu.memref_slice %arg2[%dma_wait3A_108, %dma_wait3A_109] : memref<10000x80xf32, #tpu.memory_space<hbm>> -> memref<10000x80xf32, #tpu.memory_space<hbm>>
        tpu.wait_indirect_dma semaphore(%arg18 : memref<!tpu.dma_semaphore, #tpu.memory_space<semaphore_mem>>) src(%dma_wait3A_110 : memref<10000x80xf32, #tpu.memory_space<hbm>>) dst(%dma_wait3A_104 : memref<80x80xf32, #tpu.memory_space<vmem>>)
        %dma_wait3A_111 = arith.constant 0 : i32
        %dma_wait3A_112 = arith.constant 0 : i32
        %dma_wait3A_113 = tpu.memref_slice %arg15[%rem3A_95, %dma_wait3A_111, %dma_wait3A_112] : memref<2x80x48xf32, #tpu.memory_space<vmem>> -> memref<1x80x48xf32, #tpu.memory_space<vmem>>
        %dma_wait3A_114 = tpu.memref_squeeze %dma_wait3A_113 : memref<1x80x48xf32, #tpu.memory_space<vmem>> -> memref<80x48xf32, #tpu.memory_space<vmem>>
        %dma_wait3A_115 = arith.constant 0 : i32
        %dma_wait3A_116 = tpu.memref_slice %arg13[%scan3A_94, %dma_wait3A_115] : memref<125x80xi32, #tpu.memory_space<vmem>> -> memref<1x80xi32, #tpu.memory_space<vmem>>
        %dma_wait3A_117 = tpu.memref_squeeze %dma_wait3A_116 : memref<1x80xi32, #tpu.memory_space<vmem>> -> memref<80xi32, #tpu.memory_space<vmem>>
        %dma_wait3A_118 = arith.constant 0 : i32
        %dma_wait3A_119 = arith.constant 0 : i32
        %dma_wait3A_120 = tpu.memref_slice %arg3[%dma_wait3A_118, %dma_wait3A_119] : memref<10000x48xf32, #tpu.memory_space<hbm>> -> memref<10000x48xf32, #tpu.memory_space<hbm>>
        tpu.wait_indirect_dma semaphore(%arg19 : memref<!tpu.dma_semaphore, #tpu.memory_space<semaphore_mem>>) src(%dma_wait3A_120 : memref<10000x48xf32, #tpu.memory_space<hbm>>) dst(%dma_wait3A_114 : memref<80x48xf32, #tpu.memory_space<vmem>>)
        %mul3A_121 = arith.constant 80 : i32
        %mul3A_122 = arith.muli %scan3A_94, %mul3A_121 : i32
        %add3A_123 = arith.addi %mul3A_6, %mul3A_122 : i32
        %dma_wait3A_124 = arith.constant 0 : i32
        %dma_wait3A_125 = arith.constant 0 : i32
        %dma_wait3A_126 = tpu.memref_slice %arg16[%rem3A_95, %dma_wait3A_124, %dma_wait3A_125] : memref<2x80x16xf32, #tpu.memory_space<vmem>> -> memref<1x80x16xf32, #tpu.memory_space<vmem>>
        %dma_wait3A_127 = tpu.memref_squeeze %dma_wait3A_126 : memref<1x80x16xf32, #tpu.memory_space<vmem>> -> memref<80x16xf32, #tpu.memory_space<vmem>>
        %dma_wait3A_128 = arith.constant 0 : i32
        %dma_wait3A_129 = tpu.memref_slice %arg4[%add3A_123, %dma_wait3A_128] : memref<320000x16xf32, #tpu.memory_space<hbm>> -> memref<80x16xf32, #tpu.memory_space<hbm>>
        %dma_wait3A_130 = arith.constant 0 : i32
        %dma_wait3A_131 = arith.constant 0 : i32
        %dma_wait3A_132 = tpu.memref_slice %arg16[%rem3A_95, %dma_wait3A_130, %dma_wait3A_131] : memref<2x80x16xf32, #tpu.memory_space<vmem>> -> memref<1x80x16xf32, #tpu.memory_space<vmem>>
        %dma_wait3A_133 = tpu.memref_squeeze %dma_wait3A_132 : memref<1x80x16xf32, #tpu.memory_space<vmem>> -> memref<80x16xf32, #tpu.memory_space<vmem>>
        %dma_wait3A_134 = arith.constant 0 : i32
        %dma_wait3A_135 = tpu.memref_slice %arg4[%add3A_123, %dma_wait3A_134] : memref<320000x16xf32, #tpu.memory_space<hbm>> -> memref<80x16xf32, #tpu.memory_space<hbm>>
        tpu.wait_dma2 semaphore(%arg20 : memref<!tpu.dma_semaphore, #tpu.memory_space<semaphore_mem>>) src(%dma_wait3A_135 : memref<80x16xf32, #tpu.memory_space<hbm>>) dst(%dma_wait3A_133 : memref<80x16xf32, #tpu.memory_space<vmem>>)
        %parallel_loop3A = arith.constant 0 : i32
        %parallel_loop3A_136 = arith.constant 80 : i32
        %parallel_loop3A_137 = arith.constant 1 : i32
        scf.for %parallel_loop3A_155 = %parallel_loop3A to %parallel_loop3A_136 step %parallel_loop3A_137  : i32 {
          %parallel_loop3A_156 = tpu.iota {dimensions = array<i32: 0>} : vector<16xi32>
          %parallel_loop3A_157 = arith.index_cast %rem3A_95 : i32 to index
          %parallel_loop3A_158 = arith.index_cast %parallel_loop3A_155 : i32 to index
          %parallel_loop3A_159 = arith.constant 0 : index
          %parallel_loop3A_160 = tpu.vector_load %arg14[%parallel_loop3A_157, %parallel_loop3A_158, %parallel_loop3A_159] {strides = array<i32>} : memref<2x80x80xf32, #tpu.memory_space<vmem>>, vector<16xf32>,
          %parallel_loop3A_161 = arith.index_cast %rem3A_95 : i32 to index
          %parallel_loop3A_162 = arith.index_cast %parallel_loop3A_155 : i32 to index
          %parallel_loop3A_163 = arith.constant 16 : index
          %parallel_loop3A_164 = tpu.vector_load %arg14[%parallel_loop3A_161, %parallel_loop3A_162, %parallel_loop3A_163] {strides = array<i32>} : memref<2x80x80xf32, #tpu.memory_space<vmem>>, vector<16xf32>,
          %parallel_loop3A_165 = arith.index_cast %rem3A_95 : i32 to index
          %parallel_loop3A_166 = arith.index_cast %parallel_loop3A_155 : i32 to index
          %parallel_loop3A_167 = arith.constant 32 : index
          %parallel_loop3A_168 = tpu.vector_load %arg14[%parallel_loop3A_165, %parallel_loop3A_166, %parallel_loop3A_167] {strides = array<i32>} : memref<2x80x80xf32, #tpu.memory_space<vmem>>, vector<16xf32>,
          %parallel_loop3A_169 = arith.index_cast %rem3A_95 : i32 to index
          %parallel_loop3A_170 = arith.index_cast %parallel_loop3A_155 : i32 to index
          %parallel_loop3A_171 = arith.constant 48 : index
          %parallel_loop3A_172 = tpu.vector_load %arg14[%parallel_loop3A_169, %parallel_loop3A_170, %parallel_loop3A_171] {strides = array<i32>} : memref<2x80x80xf32, #tpu.memory_space<vmem>>, vector<16xf32>,
          %parallel_loop3A_173 = arith.index_cast %rem3A_95 : i32 to index
          %parallel_loop3A_174 = arith.index_cast %parallel_loop3A_155 : i32 to index
          %parallel_loop3A_175 = arith.constant 0 : index
          %parallel_loop3A_176 = tpu.vector_load %arg15[%parallel_loop3A_173, %parallel_loop3A_174, %parallel_loop3A_175] {strides = array<i32>} : memref<2x80x48xf32, #tpu.memory_space<vmem>>, vector<16xf32>,
          %parallel_loop3A_177 = arith.index_cast %rem3A_95 : i32 to index
          %parallel_loop3A_178 = arith.index_cast %parallel_loop3A_155 : i32 to index
          %parallel_loop3A_179 = arith.constant 16 : index
          %parallel_loop3A_180 = tpu.vector_load %arg15[%parallel_loop3A_177, %parallel_loop3A_178, %parallel_loop3A_179] {strides = array<i32>} : memref<2x80x48xf32, #tpu.memory_space<vmem>>, vector<16xf32>,
          %parallel_loop3A_181 = arith.index_cast %rem3A_95 : i32 to index
          %parallel_loop3A_182 = arith.index_cast %parallel_loop3A_155 : i32 to index
          %parallel_loop3A_183 = arith.constant 0 : index
          %parallel_loop3A_184 = tpu.vector_load %arg16[%parallel_loop3A_181, %parallel_loop3A_182, %parallel_loop3A_183] {strides = array<i32>} : memref<2x80x16xf32, #tpu.memory_space<vmem>>, vector<16xf32>,
          %parallel_loop3A_185 = arith.constant 0 : i32
          %parallel_loop3A_186 = arith.index_cast %parallel_loop3A_185 : i32 to index
          %parallel_loop3A_187 = arith.constant 0 : index
          %parallel_loop3A_188 = tpu.vector_load %arg11[%parallel_loop3A_186, %parallel_loop3A_187] {strides = array<i32>} : memref<2x16xf32, #tpu.memory_space<vmem>>, vector<16xf32>,
          %parallel_loop3A_189 = arith.mulf %parallel_loop3A_184, %parallel_loop3A_188 : vector<16xf32>
          %parallel_loop3A_190 = arith.constant true
          %parallel_loop3A_191 = vector.broadcast %parallel_loop3A_190 : i1 to vector<16xi1>
          %parallel_loop3A_192 = tpu.scan <sum>, %parallel_loop3A_189 masked %parallel_loop3A_191 : vector<16xf32>, vector<16xi1> -> vector<16xf32>
          %parallel_loop3A_193 = vector.extract %parallel_loop3A_192[15] : f32 from vector<16xf32>
          %parallel_loop3A_194 = arith.index_cast %rem3A_95 : i32 to index
          %parallel_loop3A_195 = arith.index_cast %parallel_loop3A_155 : i32 to index
          %parallel_loop3A_196 = arith.constant 64 : index
          %parallel_loop3A_197 = tpu.vector_load %arg14[%parallel_loop3A_194, %parallel_loop3A_195, %parallel_loop3A_196] {strides = array<i32>} : memref<2x80x80xf32, #tpu.memory_space<vmem>>, vector<16xf32>,
          %parallel_loop3A_198 = arith.index_cast %rem3A_95 : i32 to index
          %parallel_loop3A_199 = arith.index_cast %parallel_loop3A_155 : i32 to index
          %parallel_loop3A_200 = arith.constant 32 : index
          %parallel_loop3A_201 = tpu.vector_load %arg15[%parallel_loop3A_198, %parallel_loop3A_199, %parallel_loop3A_200] {strides = array<i32>} : memref<2x80x48xf32, #tpu.memory_space<vmem>>, vector<16xf32>,
          %parallel_loop3A_202 = arith.addf %parallel_loop3A_197, %parallel_loop3A_201 : vector<16xf32>
          %parallel_loop3A_203 = vector.broadcast %parallel_loop3A_193 : f32 to vector<16xf32>
          %parallel_loop3A_204 = arith.addf %parallel_loop3A_202, %parallel_loop3A_203 : vector<16xf32>
          %parallel_loop3A_205 = arith.constant 2.000000e-01 : f32
          %parallel_loop3A_206 = vector.broadcast %parallel_loop3A_205 : f32 to vector<16xf32>
          %parallel_loop3A_207 = arith.mulf %parallel_loop3A_206, %parallel_loop3A_204 : vector<16xf32>
          %parallel_loop3A_208 = arith.maximumf %parallel_loop3A_204, %parallel_loop3A_207 : vector<16xf32>
          %parallel_loop3A_209 = math.exp %parallel_loop3A_208 : vector<16xf32>
          %parallel_loop3A_210 = arith.mulf %parallel_loop3A_168, %parallel_loop3A_176 : vector<16xf32>
          %parallel_loop3A_211 = arith.mulf %parallel_loop3A_172, %parallel_loop3A_180 : vector<16xf32>
          %parallel_loop3A_212 = arith.addf %parallel_loop3A_210, %parallel_loop3A_211 : vector<16xf32>
          %parallel_loop3A_213 = arith.constant true
          %parallel_loop3A_214 = vector.broadcast %parallel_loop3A_213 : i1 to vector<16xi1>
          %parallel_loop3A_215 = tpu.scan <sum>, %parallel_loop3A_212 masked %parallel_loop3A_214 : vector<16xf32>, vector<16xi1> -> vector<16xf32>
          %parallel_loop3A_216 = vector.extract %parallel_loop3A_215[15] : f32 from vector<16xf32>
          %parallel_loop3A_217 = vector.broadcast %parallel_loop3A_216 : f32 to vector<16xf32>
          %parallel_loop3A_218 = math.exp %parallel_loop3A_217 : vector<16xf32>
          %parallel_loop3A_219 = arith.constant 0 : i32
          %parallel_loop3A_220 = vector.broadcast %parallel_loop3A_219 : i32 to vector<16xi32>
          %parallel_loop3A_221 = arith.cmpi eq, %parallel_loop3A_156, %parallel_loop3A_220 : vector<16xi32>
          %parallel_loop3A_222 = arith.select %parallel_loop3A_221, %parallel_loop3A_209, %parallel_loop3A_218 : vector<16xi1>, vector<16xf32>
          %parallel_loop3A_223 = arith.index_cast %rem3A_95 : i32 to index
          %parallel_loop3A_224 = arith.index_cast %parallel_loop3A_155 : i32 to index
          %parallel_loop3A_225 = arith.constant 0 : index
          %parallel_loop3A_226 = tpu.vector_load %arg17[%parallel_loop3A_223, %parallel_loop3A_224, %parallel_loop3A_225] {strides = array<i32>} : memref<2x80x96xf32, #tpu.memory_space<vmem>>, vector<16xf32>,
          tpu.vector_store %arg17[%parallel_loop3A_223, %parallel_loop3A_224, %parallel_loop3A_225], %parallel_loop3A_222 {strides = array<i32>} : memref<2x80x96xf32, #tpu.memory_space<vmem>>, vector<16xf32>,
          %parallel_loop3A_227 = arith.mulf %parallel_loop3A_209, %parallel_loop3A_160 : vector<16xf32>
          %parallel_loop3A_228 = arith.index_cast %rem3A_95 : i32 to index
          %parallel_loop3A_229 = arith.index_cast %parallel_loop3A_155 : i32 to index
          %parallel_loop3A_230 = arith.constant 16 : index
          %parallel_loop3A_231 = tpu.vector_load %arg17[%parallel_loop3A_228, %parallel_loop3A_229, %parallel_loop3A_230] {strides = array<i32>} : memref<2x80x96xf32, #tpu.memory_space<vmem>>, vector<16xf32>,
          tpu.vector_store %arg17[%parallel_loop3A_228, %parallel_loop3A_229, %parallel_loop3A_230], %parallel_loop3A_227 {strides = array<i32>} : memref<2x80x96xf32, #tpu.memory_space<vmem>>, vector<16xf32>,
          %parallel_loop3A_232 = arith.mulf %parallel_loop3A_209, %parallel_loop3A_164 : vector<16xf32>
          %parallel_loop3A_233 = arith.index_cast %rem3A_95 : i32 to index
          %parallel_loop3A_234 = arith.index_cast %parallel_loop3A_155 : i32 to index
          %parallel_loop3A_235 = arith.constant 32 : index
          %parallel_loop3A_236 = tpu.vector_load %arg17[%parallel_loop3A_233, %parallel_loop3A_234, %parallel_loop3A_235] {strides = array<i32>} : memref<2x80x96xf32, #tpu.memory_space<vmem>>, vector<16xf32>,
          tpu.vector_store %arg17[%parallel_loop3A_233, %parallel_loop3A_234, %parallel_loop3A_235], %parallel_loop3A_232 {strides = array<i32>} : memref<2x80x96xf32, #tpu.memory_space<vmem>>, vector<16xf32>,
          %parallel_loop3A_237 = arith.mulf %parallel_loop3A_218, %parallel_loop3A_160 : vector<16xf32>
          %parallel_loop3A_238 = arith.index_cast %rem3A_95 : i32 to index
          %parallel_loop3A_239 = arith.index_cast %parallel_loop3A_155 : i32 to index
          %parallel_loop3A_240 = arith.constant 48 : index
          %parallel_loop3A_241 = tpu.vector_load %arg17[%parallel_loop3A_238, %parallel_loop3A_239, %parallel_loop3A_240] {strides = array<i32>} : memref<2x80x96xf32, #tpu.memory_space<vmem>>, vector<16xf32>,
          tpu.vector_store %arg17[%parallel_loop3A_238, %parallel_loop3A_239, %parallel_loop3A_240], %parallel_loop3A_237 {strides = array<i32>} : memref<2x80x96xf32, #tpu.memory_space<vmem>>, vector<16xf32>,
          %parallel_loop3A_242 = arith.mulf %parallel_loop3A_218, %parallel_loop3A_164 : vector<16xf32>
          %parallel_loop3A_243 = arith.index_cast %rem3A_95 : i32 to index
          %parallel_loop3A_244 = arith.index_cast %parallel_loop3A_155 : i32 to index
          %parallel_loop3A_245 = arith.constant 64 : index
          %parallel_loop3A_246 = tpu.vector_load %arg17[%parallel_loop3A_243, %parallel_loop3A_244, %parallel_loop3A_245] {strides = array<i32>} : memref<2x80x96xf32, #tpu.memory_space<vmem>>, vector<16xf32>,
          tpu.vector_store %arg17[%parallel_loop3A_243, %parallel_loop3A_244, %parallel_loop3A_245], %parallel_loop3A_242 {strides = array<i32>} : memref<2x80x96xf32, #tpu.memory_space<vmem>>, vector<16xf32>,
          %parallel_loop3A_247 = arith.mulf %parallel_loop3A_209, %parallel_loop3A_184 : vector<16xf32>
          %parallel_loop3A_248 = arith.index_cast %rem3A_95 : i32 to index
          %parallel_loop3A_249 = arith.index_cast %parallel_loop3A_155 : i32 to index
          %parallel_loop3A_250 = arith.constant 80 : index
          %parallel_loop3A_251 = tpu.vector_load %arg17[%parallel_loop3A_248, %parallel_loop3A_249, %parallel_loop3A_250] {strides = array<i32>} : memref<2x80x96xf32, #tpu.memory_space<vmem>>, vector<16xf32>,
          tpu.vector_store %arg17[%parallel_loop3A_248, %parallel_loop3A_249, %parallel_loop3A_250], %parallel_loop3A_247 {strides = array<i32>} : memref<2x80x96xf32, #tpu.memory_space<vmem>>, vector<16xf32>,
        } {sc.loop_unroll_factor = 10 : i64, sc.parallel_access}
        %dma_start3A_138 = arith.constant 0 : i32
        %dma_start3A_139 = arith.constant 0 : i32
        %dma_start3A_140 = tpu.memref_slice %arg17[%rem3A_95, %dma_start3A_138, %dma_start3A_139] : memref<2x80x96xf32, #tpu.memory_space<vmem>> -> memref<1x80x96xf32, #tpu.memory_space<vmem>>
        %dma_start3A_141 = tpu.memref_squeeze %dma_start3A_140 : memref<1x80x96xf32, #tpu.memory_space<vmem>> -> memref<80x96xf32, #tpu.memory_space<vmem>>
        %dma_start3A_142 = arith.constant 0 : i32
        %dma_start3A_143 = tpu.memref_slice %arg13[%scan3A_94, %dma_start3A_142] : memref<125x80xi32, #tpu.memory_space<vmem>> -> memref<1x80xi32, #tpu.memory_space<vmem>>
        %dma_start3A_144 = tpu.memref_squeeze %dma_start3A_143 : memref<1x80xi32, #tpu.memory_space<vmem>> -> memref<80xi32, #tpu.memory_space<vmem>>
        %dma_start3A_145 = arith.constant 0 : i32
        %dma_start3A_146 = arith.constant 0 : i32
        %dma_start3A_147 = tpu.memref_slice %arg10[%dma_start3A_145, %dma_start3A_146] : memref<10240x96xf32, #tpu.memory_space<vmem_shared>> -> memref<10240x96xf32, #tpu.memory_space<vmem_shared>>
        tpu.enqueue_indirect_dma source(%dma_start3A_141 : memref<80x96xf32, #tpu.memory_space<vmem>>) target(%dma_start3A_147 : memref<10240x96xf32, #tpu.memory_space<vmem_shared>>) offsets(%dma_start3A_144 : memref<80xi32, #tpu.memory_space<vmem>>) semaphore(%arg21 : memref<!tpu.dma_semaphore, #tpu.memory_space<semaphore_mem>>) {add = true}
        %add3A_148 = arith.constant 2 : i32
        %add3A_149 = arith.addi %scan3A_94, %add3A_148 : i32
        %lt3A_150 = arith.constant 125 : i32
        %lt3A_151 = arith.cmpi slt, %add3A_149, %lt3A_150 : i32
        %convert_element_type3A_152 = arith.extui %lt3A_151 : i1 to i32
        %cond3A_153 = arith.constant 0 : i32
        %cond3A_154 = arith.cmpi ne, %convert_element_type3A_152, %cond3A_153 : i32
        scf.if %cond3A_154 {
          %add3A_155 = arith.constant 2 : i32
          %add3A_156 = arith.addi %scan3A_94, %add3A_155 : i32
          %dma_start3A_157 = arith.constant 0 : i32
          %dma_start3A_158 = arith.constant 0 : i32
          %dma_start3A_159 = tpu.memref_slice %arg14[%rem3A_95, %dma_start3A_157, %dma_start3A_158] : memref<2x80x80xf32, #tpu.memory_space<vmem>> -> memref<1x80x80xf32, #tpu.memory_space<vmem>>
          %dma_start3A_160 = tpu.memref_squeeze %dma_start3A_159 : memref<1x80x80xf32, #tpu.memory_space<vmem>> -> memref<80x80xf32, #tpu.memory_space<vmem>>
          %dma_start3A_161 = arith.constant 0 : i32
          %dma_start3A_162 = tpu.memref_slice %arg12[%add3A_156, %dma_start3A_161] : memref<125x80xi32, #tpu.memory_space<vmem>> -> memref<1x80xi32, #tpu.memory_space<vmem>>
          %dma_start3A_163 = tpu.memref_squeeze %dma_start3A_162 : memref<1x80xi32, #tpu.memory_space<vmem>> -> memref<80xi32, #tpu.memory_space<vmem>>
          %dma_start3A_164 = arith.constant 0 : i32
          %dma_start3A_165 = arith.constant 0 : i32
          %dma_start3A_166 = tpu.memref_slice %arg2[%dma_start3A_164, %dma_start3A_165] : memref<10000x80xf32, #tpu.memory_space<hbm>> -> memref<10000x80xf32, #tpu.memory_space<hbm>>
          tpu.enqueue_indirect_dma source(%dma_start3A_166 : memref<10000x80xf32, #tpu.memory_space<hbm>>) target(%dma_start3A_160 : memref<80x80xf32, #tpu.memory_space<vmem>>) offsets(%dma_start3A_163 : memref<80xi32, #tpu.memory_space<vmem>>) semaphore(%arg18 : memref<!tpu.dma_semaphore, #tpu.memory_space<semaphore_mem>>)
          %dma_start3A_167 = arith.constant 0 : i32
          %dma_start3A_168 = arith.constant 0 : i32
          %dma_start3A_169 = tpu.memref_slice %arg15[%rem3A_95, %dma_start3A_167, %dma_start3A_168] : memref<2x80x48xf32, #tpu.memory_space<vmem>> -> memref<1x80x48xf32, #tpu.memory_space<vmem>>
          %dma_start3A_170 = tpu.memref_squeeze %dma_start3A_169 : memref<1x80x48xf32, #tpu.memory_space<vmem>> -> memref<80x48xf32, #tpu.memory_space<vmem>>
          %dma_start3A_171 = arith.constant 0 : i32
          %dma_start3A_172 = tpu.memref_slice %arg13[%add3A_156, %dma_start3A_171] : memref<125x80xi32, #tpu.memory_space<vmem>> -> memref<1x80xi32, #tpu.memory_space<vmem>>
          %dma_start3A_173 = tpu.memref_squeeze %dma_start3A_172 : memref<1x80xi32, #tpu.memory_space<vmem>> -> memref<80xi32, #tpu.memory_space<vmem>>
          %dma_start3A_174 = arith.constant 0 : i32
          %dma_start3A_175 = arith.constant 0 : i32
          %dma_start3A_176 = tpu.memref_slice %arg3[%dma_start3A_174, %dma_start3A_175] : memref<10000x48xf32, #tpu.memory_space<hbm>> -> memref<10000x48xf32, #tpu.memory_space<hbm>>
          tpu.enqueue_indirect_dma source(%dma_start3A_176 : memref<10000x48xf32, #tpu.memory_space<hbm>>) target(%dma_start3A_170 : memref<80x48xf32, #tpu.memory_space<vmem>>) offsets(%dma_start3A_173 : memref<80xi32, #tpu.memory_space<vmem>>) semaphore(%arg19 : memref<!tpu.dma_semaphore, #tpu.memory_space<semaphore_mem>>)
          %mul3A_177 = arith.constant 80 : i32
          %mul3A_178 = arith.muli %add3A_156, %mul3A_177 : i32
          %add3A_179 = arith.addi %mul3A_6, %mul3A_178 : i32
          %dma_start3A_180 = arith.constant 0 : i32
          %dma_start3A_181 = arith.constant 0 : i32
          %dma_start3A_182 = tpu.memref_slice %arg16[%rem3A_95, %dma_start3A_180, %dma_start3A_181] : memref<2x80x16xf32, #tpu.memory_space<vmem>> -> memref<1x80x16xf32, #tpu.memory_space<vmem>>
          %dma_start3A_183 = tpu.memref_squeeze %dma_start3A_182 : memref<1x80x16xf32, #tpu.memory_space<vmem>> -> memref<80x16xf32, #tpu.memory_space<vmem>>
          %dma_start3A_184 = arith.constant 0 : i32
          %dma_start3A_185 = tpu.memref_slice %arg4[%add3A_179, %dma_start3A_184] : memref<320000x16xf32, #tpu.memory_space<hbm>> -> memref<80x16xf32, #tpu.memory_space<hbm>>
          %dma_start3A_186 = arith.constant 0 : i32
          %dma_start3A_187 = arith.constant 0 : i32
          %dma_start3A_188 = tpu.memref_slice %arg16[%rem3A_95, %dma_start3A_186, %dma_start3A_187] : memref<2x80x16xf32, #tpu.memory_space<vmem>> -> memref<1x80x16xf32, #tpu.memory_space<vmem>>
          %dma_start3A_189 = tpu.memref_squeeze %dma_start3A_188 : memref<1x80x16xf32, #tpu.memory_space<vmem>> -> memref<80x16xf32, #tpu.memory_space<vmem>>
          %dma_start3A_190 = arith.constant 0 : i32
          %dma_start3A_191 = tpu.memref_slice %arg4[%add3A_179, %dma_start3A_190] : memref<320000x16xf32, #tpu.memory_space<hbm>> -> memref<80x16xf32, #tpu.memory_space<hbm>>
          tpu.enqueue_dma source(%dma_start3A_191 : memref<80x16xf32, #tpu.memory_space<hbm>>) target(%dma_start3A_189 : memref<80x16xf32, #tpu.memory_space<vmem>>) target_semaphore(%arg20 : memref<!tpu.dma_semaphore, #tpu.memory_space<semaphore_mem>>)
        } else {
        }
      } else {
      }
    }
    %scan3A_88 = arith.constant 127 : i32
    %barrier3A_89 = arith.constant 0 : index
    tpu.barrier barrier_id(%barrier3A_89)
    %mul3A_90 = arith.constant 640 : i32
    %mul3A_91 = arith.muli %arg1, %mul3A_90 : i32
    %mul3A_92 = arith.constant 640 : i32
    %mul3A_93 = arith.muli %arg1, %mul3A_92 : i32
    "tpu.region"() ({
      %run_scoped3A = tpu.sem_alloc : memref<!tpu.dma_semaphore, #tpu.memory_space<semaphore_mem>>
      %dma_start3A_94 = arith.constant 0 : i32
      %dma_start3A_95 = tpu.memref_slice %arg9[%arg0, %mul3A_93, %dma_start3A_94] : memref<2x10240x96xf32, #tpu.memory_space<hbm>> -> memref<1x640x96xf32, #tpu.memory_space<hbm>>
      %dma_start3A_96 = tpu.memref_squeeze %dma_start3A_95 : memref<1x640x96xf32, #tpu.memory_space<hbm>> -> memref<640x96xf32, #tpu.memory_space<hbm>>
      %dma_start3A_97 = arith.constant 0 : i32
      %dma_start3A_98 = tpu.memref_slice %arg10[%mul3A_91, %dma_start3A_97] : memref<10240x96xf32, #tpu.memory_space<vmem_shared>> -> memref<640x96xf32, #tpu.memory_space<vmem_shared>>
      tpu.enqueue_dma source(%dma_start3A_98 : memref<640x96xf32, #tpu.memory_space<vmem_shared>>) target(%dma_start3A_96 : memref<640x96xf32, #tpu.memory_space<hbm>>) target_semaphore(%run_scoped3A : memref<!tpu.dma_semaphore, #tpu.memory_space<semaphore_mem>>)
      %dma_wait3A = arith.constant 0 : i32
      %dma_wait3A_99 = tpu.memref_slice %arg9[%arg0, %mul3A_93, %dma_wait3A] : memref<2x10240x96xf32, #tpu.memory_space<hbm>> -> memref<1x640x96xf32, #tpu.memory_space<hbm>>
      %dma_wait3A_100 = tpu.memref_squeeze %dma_wait3A_99 : memref<1x640x96xf32, #tpu.memory_space<hbm>> -> memref<640x96xf32, #tpu.memory_space<hbm>>
      %dma_wait3A_101 = arith.constant 0 : i32
      %dma_wait3A_102 = tpu.memref_slice %arg10[%mul3A_91, %dma_wait3A_101] : memref<10240x96xf32, #tpu.memory_space<vmem_shared>> -> memref<640x96xf32, #tpu.memory_space<vmem_shared>>
      tpu.wait_dma2 semaphore(%run_scoped3A : memref<!tpu.dma_semaphore, #tpu.memory_space<semaphore_mem>>) src(%dma_wait3A_102 : memref<640x96xf32, #tpu.memory_space<vmem_shared>>) dst(%dma_wait3A_100 : memref<640x96xf32, #tpu.memory_space<hbm>>)
      tpu.yield
    }) : () -> ()
    return
  }
}

module attributes {stable_mosaic.version = 14 : i64} {
  func.func @_nodes_body(%arg0: i32, %arg1: memref<1000x128xf32, #tpu.memory_space<vmem>>, %arg2: memref<128x32xf32, #tpu.memory_space<vmem>>, %arg3: memref<32x32xf32, #tpu.memory_space<vmem>>, %arg4: memref<32x32xf32, #tpu.memory_space<vmem>>, %arg5: memref<32x2xf32, #tpu.memory_space<vmem>>, %arg6: memref<8x32xf32, #tpu.memory_space<vmem>>, %arg7: memref<1000x80xf32, #tpu.memory_space<vmem>>, %arg8: memref<1000x48xf32, #tpu.memory_space<vmem>>) attributes {dimension_semantics = [#tpu.dimension_semantics<arbitrary>], iteration_bounds = array<i64: 10>, scalar_prefetch = 0 : i64, scratch_operands = 0 : i64, tpu.core_type = #tpu.core_type<tc>, window_params = [{transform_indices = @transform_0, window_bounds = array<i64: 1000, 128>}, {pipeline_mode = #tpu.pipeline_mode<synchronous>, transform_indices = @transform_1, window_bounds = array<i64: 128, 32>}, {pipeline_mode = #tpu.pipeline_mode<synchronous>, transform_indices = @transform_2, window_bounds = array<i64: 32, 32>}, {pipeline_mode = #tpu.pipeline_mode<synchronous>, transform_indices = @transform_3, window_bounds = array<i64: 32, 32>}, {pipeline_mode = #tpu.pipeline_mode<synchronous>, transform_indices = @transform_4, window_bounds = array<i64: 32, 2>}, {pipeline_mode = #tpu.pipeline_mode<synchronous>, transform_indices = @transform_5, window_bounds = array<i64: 8, 32>}, {transform_indices = @transform_6, window_bounds = array<i64: 1000, 80>}, {transform_indices = @transform_7, window_bounds = array<i64: 1000, 48>}]} {
    %get3A = arith.constant 0 : index
    %get3A_0 = arith.constant 0 : index
    %get3A_1 = vector.load %arg1[%get3A, %get3A_0] : memref<1000x128xf32, #tpu.memory_space<vmem>>, vector<1000x128xf32>
    %get3A_2 = arith.constant 0 : index
    %get3A_3 = arith.constant 0 : index
    %get3A_4 = vector.load %arg2[%get3A_2, %get3A_3] : memref<128x32xf32, #tpu.memory_space<vmem>>, vector<128x32xf32>
    %dot_general3A = arith.constant dense<0.000000e+00> : vector<1000x32xf32>
    %dot_general3A_5 = tpu.matmul %get3A_1, %get3A_4, %dot_general3A {dimension_numbers = #tpu.dot_dimension_numbers<[1], [0], [0], [1], [0, 0, 1, 1], [], []>, transpose_lhs_hint = false} : vector<1000x128xf32>, vector<128x32xf32>, vector<1000x32xf32> -> vector<1000x32xf32>
    %get3A_6 = arith.constant 0 : index
    %get3A_7 = arith.constant 0 : index
    %get3A_8 = vector.load %arg6[%get3A_6, %get3A_7] : memref<8x32xf32, #tpu.memory_space<vmem>>, vector<1x32xf32>
    %get3A_9 = vector.shape_cast %get3A_8 : vector<1x32xf32> to vector<32xf32>
    %broadcast_in_dim3A = vector.shape_cast %get3A_9 : vector<32xf32> to vector<1x32xf32>
    %add3A = vector.broadcast %broadcast_in_dim3A : vector<1x32xf32> to vector<1000x32xf32>
    %add3A_10 = arith.addf %dot_general3A_5, %add3A : vector<1000x32xf32>
    %get3A_11 = arith.constant 0 : index
    %get3A_12 = arith.constant 0 : index
    %get3A_13 = vector.load %arg3[%get3A_11, %get3A_12] : memref<32x32xf32, #tpu.memory_space<vmem>>, vector<32x32xf32>
    %dot_general3A_14 = arith.constant dense<0.000000e+00> : vector<1000x32xf32>
    %dot_general3A_15 = tpu.matmul %add3A_10, %get3A_13, %dot_general3A_14 {dimension_numbers = #tpu.dot_dimension_numbers<[1], [0], [0], [1], [0, 0, 1, 1], [], []>, transpose_lhs_hint = false} : vector<1000x32xf32>, vector<32x32xf32>, vector<1000x32xf32> -> vector<1000x32xf32>
    %get3A_16 = arith.constant 1 : index
    %get3A_17 = arith.constant 0 : index
    %get3A_18 = vector.load %arg6[%get3A_16, %get3A_17] : memref<8x32xf32, #tpu.memory_space<vmem>>, vector<1x32xf32>
    %get3A_19 = vector.shape_cast %get3A_18 : vector<1x32xf32> to vector<32xf32>
    %broadcast_in_dim3A_20 = vector.shape_cast %get3A_19 : vector<32xf32> to vector<1x32xf32>
    %add3A_21 = vector.broadcast %broadcast_in_dim3A_20 : vector<1x32xf32> to vector<1000x32xf32>
    %add3A_22 = arith.addf %dot_general3A_15, %add3A_21 : vector<1000x32xf32>
    %get3A_23 = arith.constant 0 : index
    %get3A_24 = arith.constant 0 : index
    %get3A_25 = vector.load %arg4[%get3A_23, %get3A_24] : memref<32x32xf32, #tpu.memory_space<vmem>>, vector<32x32xf32>
    %dot_general3A_26 = arith.constant dense<0.000000e+00> : vector<1000x32xf32>
    %dot_general3A_27 = tpu.matmul %add3A_10, %get3A_25, %dot_general3A_26 {dimension_numbers = #tpu.dot_dimension_numbers<[1], [0], [0], [1], [0, 0, 1, 1], [], []>, transpose_lhs_hint = false} : vector<1000x32xf32>, vector<32x32xf32>, vector<1000x32xf32> -> vector<1000x32xf32>
    %get3A_28 = arith.constant 2 : index
    %get3A_29 = arith.constant 0 : index
    %get3A_30 = vector.load %arg6[%get3A_28, %get3A_29] : memref<8x32xf32, #tpu.memory_space<vmem>>, vector<1x32xf32>
    %get3A_31 = vector.shape_cast %get3A_30 : vector<1x32xf32> to vector<32xf32>
    %broadcast_in_dim3A_32 = vector.shape_cast %get3A_31 : vector<32xf32> to vector<1x32xf32>
    %add3A_33 = vector.broadcast %broadcast_in_dim3A_32 : vector<1x32xf32> to vector<1000x32xf32>
    %add3A_34 = arith.addf %dot_general3A_27, %add3A_33 : vector<1000x32xf32>
    %get3A_35 = arith.constant 0 : index
    %get3A_36 = arith.constant 0 : index
    %get3A_37 = vector.load %arg5[%get3A_35, %get3A_36] : memref<32x2xf32, #tpu.memory_space<vmem>>, vector<32x2xf32>
    %dot_general3A_38 = arith.constant dense<0.000000e+00> : vector<1000x2xf32>
    %dot_general3A_39 = tpu.matmul %add3A_10, %get3A_37, %dot_general3A_38 {dimension_numbers = #tpu.dot_dimension_numbers<[1], [0], [0], [1], [0, 0, 1, 1], [], []>, transpose_lhs_hint = false} : vector<1000x32xf32>, vector<32x2xf32>, vector<1000x2xf32> -> vector<1000x2xf32>
    %broadcast_in_dim3A_40 = arith.constant 1.000000e+00 : f32
    %broadcast_in_dim3A_41 = vector.broadcast %broadcast_in_dim3A_40 : f32 to vector<1x16xf32>
    %slice3A = vector.extract_strided_slice %dot_general3A_39 {offsets = [0, 0], sizes = [1000, 1], strides = [1, 1]} : vector<1000x2xf32> to vector<1000x1xf32>
    %get3A_42 = arith.constant 4 : index
    %get3A_43 = arith.constant 0 : index
    %get3A_44 = vector.load %arg6[%get3A_42, %get3A_43] : memref<8x32xf32, #tpu.memory_space<vmem>>, vector<1x1xf32>
    %get3A_45 = vector.extract %get3A_44[0, 0] : f32 from vector<1x1xf32>
    %add3A_46 = vector.broadcast %get3A_45 : f32 to vector<1000x1xf32>
    %add3A_47 = arith.addf %slice3A, %add3A_46 : vector<1000x1xf32>
    %mul3A = vector.broadcast %add3A_47 : vector<1000x1xf32> to vector<1000x16xf32>
    %mul3A_48 = vector.broadcast %broadcast_in_dim3A_41 : vector<1x16xf32> to vector<1000x16xf32>
    %mul3A_49 = arith.mulf %mul3A, %mul3A_48 : vector<1000x16xf32>
    %concatenate3A = tpu.concatenate %add3A_10, %add3A_22, %mul3A_49 in 1 : vector<1000x32xf32>, vector<1000x32xf32>, vector<1000x16xf32> -> vector<1000x80xf32>
    %swap3A = arith.constant 0 : index
    %swap3A_50 = arith.constant 0 : index
    %swap3A_51 = vector.load %arg7[%swap3A, %swap3A_50] : memref<1000x80xf32, #tpu.memory_space<vmem>>, vector<1000x80xf32>
    tpu.vector_store %arg7[%swap3A, %swap3A_50], %concatenate3A {strides = array<i32>} : memref<1000x80xf32, #tpu.memory_space<vmem>>, vector<1000x80xf32>,
    %slice3A_52 = vector.extract_strided_slice %dot_general3A_39 {offsets = [0, 1], sizes = [1000, 1], strides = [1, 1]} : vector<1000x2xf32> to vector<1000x1xf32>
    %mul3A_53 = vector.broadcast %slice3A_52 : vector<1000x1xf32> to vector<1000x16xf32>
    %mul3A_54 = vector.broadcast %broadcast_in_dim3A_41 : vector<1x16xf32> to vector<1000x16xf32>
    %mul3A_55 = arith.mulf %mul3A_53, %mul3A_54 : vector<1000x16xf32>
    %concatenate3A_56 = tpu.concatenate %add3A_34, %mul3A_55 in 1 : vector<1000x32xf32>, vector<1000x16xf32> -> vector<1000x48xf32>
    %swap3A_57 = arith.constant 0 : index
    %swap3A_58 = arith.constant 0 : index
    %swap3A_59 = vector.load %arg8[%swap3A_57, %swap3A_58] : memref<1000x48xf32, #tpu.memory_space<vmem>>, vector<1000x48xf32>
    tpu.vector_store %arg8[%swap3A_57, %swap3A_58], %concatenate3A_56 {strides = array<i32>} : memref<1000x48xf32, #tpu.memory_space<vmem>>, vector<1000x48xf32>,
    return
  }
  func.func @transform_0(%arg0: i32) -> (i32, i32) {
    %c0_i32 = arith.constant 0 : i32
    %c0_i32_0 = arith.constant 0 : i32
    return %arg0, %c0_i32 : i32, i32
  }
  func.func @transform_1(%arg0: i32) -> (i32, i32) {
    %c0_i32 = arith.constant 0 : i32
    %c0_i32_0 = arith.constant 0 : i32
    %c0_i32_1 = arith.constant 0 : i32
    return %c0_i32, %c0_i32_0 : i32, i32
  }
  func.func @transform_2(%arg0: i32) -> (i32, i32) {
    %c0_i32 = arith.constant 0 : i32
    %c0_i32_0 = arith.constant 0 : i32
    %c0_i32_1 = arith.constant 0 : i32
    return %c0_i32, %c0_i32_0 : i32, i32
  }
  func.func @transform_3(%arg0: i32) -> (i32, i32) {
    %c0_i32 = arith.constant 0 : i32
    %c0_i32_0 = arith.constant 0 : i32
    %c0_i32_1 = arith.constant 0 : i32
    return %c0_i32, %c0_i32_0 : i32, i32
  }
  func.func @transform_4(%arg0: i32) -> (i32, i32) {
    %c0_i32 = arith.constant 0 : i32
    %c0_i32_0 = arith.constant 0 : i32
    %c0_i32_1 = arith.constant 0 : i32
    return %c0_i32, %c0_i32_0 : i32, i32
  }
  func.func @transform_5(%arg0: i32) -> (i32, i32) {
    %c0_i32 = arith.constant 0 : i32
    %c0_i32_0 = arith.constant 0 : i32
    %c0_i32_1 = arith.constant 0 : i32
    return %c0_i32, %c0_i32_0 : i32, i32
  }
  func.func @transform_6(%arg0: i32) -> (i32, i32) {
    %c0_i32 = arith.constant 0 : i32
    %c0_i32_0 = arith.constant 0 : i32
    return %arg0, %c0_i32 : i32, i32
  }
  func.func @transform_7(%arg0: i32) -> (i32, i32) {
    %c0_i32 = arith.constant 0 : i32
    %c0_i32_0 = arith.constant 0 : i32
    return %arg0, %c0_i32 : i32, i32
  }
}

module attributes {stable_mosaic.version = 14 : i64} {
  func.func @_post_body(%arg0: i32, %arg1: memref<2x1000x96xf32, #tpu.memory_space<vmem>>, %arg2: memref<16x32xf32, #tpu.memory_space<vmem>>, %arg3: memref<8x32xf32, #tpu.memory_space<vmem>>, %arg4: memref<1000x32xf32, #tpu.memory_space<vmem>>) attributes {dimension_semantics = [#tpu.dimension_semantics<arbitrary>], iteration_bounds = array<i64: 10>, scalar_prefetch = 0 : i64, scratch_operands = 0 : i64, tpu.core_type = #tpu.core_type<tc>, window_params = [{transform_indices = @transform_0, window_bounds = array<i64: 2, 1000, 96>}, {pipeline_mode = #tpu.pipeline_mode<synchronous>, transform_indices = @transform_1, window_bounds = array<i64: 16, 32>}, {pipeline_mode = #tpu.pipeline_mode<synchronous>, transform_indices = @transform_2, window_bounds = array<i64: 8, 32>}, {transform_indices = @transform_3, window_bounds = array<i64: 1000, 32>}]} {
    %get3A = arith.constant 0 : index
    %get3A_0 = arith.constant 0 : index
    %get3A_1 = arith.constant 0 : index
    %get3A_2 = vector.load %arg1[%get3A, %get3A_0, %get3A_1] : memref<2x1000x96xf32, #tpu.memory_space<vmem>>, vector<1x1000x96xf32>
    %get3A_3 = vector.shape_cast %get3A_2 : vector<1x1000x96xf32> to vector<1000x96xf32>
    %get3A_4 = arith.constant 1 : index
    %get3A_5 = arith.constant 0 : index
    %get3A_6 = arith.constant 0 : index
    %get3A_7 = vector.load %arg1[%get3A_4, %get3A_5, %get3A_6] : memref<2x1000x96xf32, #tpu.memory_space<vmem>>, vector<1x1000x96xf32>
    %get3A_8 = vector.shape_cast %get3A_7 : vector<1x1000x96xf32> to vector<1000x96xf32>
    %add3A = arith.addf %get3A_3, %get3A_8 : vector<1000x96xf32>
    %slice3A = vector.extract_strided_slice %add3A {offsets = [0, 0], sizes = [1000, 1], strides = [1, 1]} : vector<1000x96xf32> to vector<1000x1xf32>
    %slice3A_9 = vector.extract_strided_slice %add3A {offsets = [0, 1], sizes = [1000, 1], strides = [1, 1]} : vector<1000x96xf32> to vector<1000x1xf32>
    %slice3A_10 = vector.extract_strided_slice %add3A {offsets = [0, 16], sizes = [1000, 32], strides = [1, 1]} : vector<1000x96xf32> to vector<1000x32xf32>
    %slice3A_11 = vector.extract_strided_slice %add3A {offsets = [0, 48], sizes = [1000, 32], strides = [1, 1]} : vector<1000x96xf32> to vector<1000x32xf32>
    %slice3A_12 = vector.extract_strided_slice %add3A {offsets = [0, 80], sizes = [1000, 16], strides = [1, 1]} : vector<1000x96xf32> to vector<1000x16xf32>
    %add3A_13 = arith.constant 1.000000e-16 : f32
    %add3A_14 = vector.broadcast %add3A_13 : f32 to vector<1000x1xf32>
    %add3A_15 = arith.addf %slice3A, %add3A_14 : vector<1000x1xf32>
    %div3A = arith.constant 1.000000e+00 : f32
    %div3A_16 = vector.broadcast %div3A : f32 to vector<1000x1xf32>
    %div3A_17 = arith.divf %div3A_16, %add3A_15 : vector<1000x1xf32>
    %add3A_18 = arith.constant 1.000000e-16 : f32
    %add3A_19 = vector.broadcast %add3A_18 : f32 to vector<1000x1xf32>
    %add3A_20 = arith.addf %slice3A_9, %add3A_19 : vector<1000x1xf32>
    %div3A_21 = arith.constant 1.000000e+00 : f32
    %div3A_22 = vector.broadcast %div3A_21 : f32 to vector<1000x1xf32>
    %div3A_23 = arith.divf %div3A_22, %add3A_20 : vector<1000x1xf32>
    %get3A_24 = arith.constant 0 : index
    %get3A_25 = arith.constant 0 : index
    %get3A_26 = vector.load %arg2[%get3A_24, %get3A_25] : memref<16x32xf32, #tpu.memory_space<vmem>>, vector<16x32xf32>
    %dot_general3A = arith.constant dense<0.000000e+00> : vector<1000x32xf32>
    %dot_general3A_27 = tpu.matmul %slice3A_12, %get3A_26, %dot_general3A {dimension_numbers = #tpu.dot_dimension_numbers<[1], [0], [0], [1], [0, 0, 1, 1], [], []>, transpose_lhs_hint = false} : vector<1000x16xf32>, vector<16x32xf32>, vector<1000x32xf32> -> vector<1000x32xf32>
    %get3A_28 = arith.constant 3 : index
    %get3A_29 = arith.constant 0 : index
    %get3A_30 = vector.load %arg3[%get3A_28, %get3A_29] : memref<8x32xf32, #tpu.memory_space<vmem>>, vector<1x32xf32>
    %get3A_31 = vector.shape_cast %get3A_30 : vector<1x32xf32> to vector<32xf32>
    %broadcast_in_dim3A = vector.shape_cast %get3A_31 : vector<32xf32> to vector<1x32xf32>
    %mul3A = vector.broadcast %slice3A : vector<1000x1xf32> to vector<1000x32xf32>
    %mul3A_32 = vector.broadcast %broadcast_in_dim3A : vector<1x32xf32> to vector<1000x32xf32>
    %mul3A_33 = arith.mulf %mul3A, %mul3A_32 : vector<1000x32xf32>
    %add3A_34 = arith.addf %dot_general3A_27, %mul3A_33 : vector<1000x32xf32>
    %mul3A_35 = vector.broadcast %div3A_17 : vector<1000x1xf32> to vector<1000x32xf32>
    %mul3A_36 = arith.mulf %slice3A_10, %mul3A_35 : vector<1000x32xf32>
    %mul3A_37 = vector.broadcast %div3A_23 : vector<1000x1xf32> to vector<1000x32xf32>
    %mul3A_38 = arith.mulf %slice3A_11, %mul3A_37 : vector<1000x32xf32>
    %mul3A_39 = arith.mulf %mul3A_36, %mul3A_38 : vector<1000x32xf32>
    %mul3A_40 = vector.broadcast %div3A_17 : vector<1000x1xf32> to vector<1000x32xf32>
    %mul3A_41 = arith.mulf %add3A_34, %mul3A_40 : vector<1000x32xf32>
    %add3A_42 = arith.addf %mul3A_39, %mul3A_41 : vector<1000x32xf32>
    %swap3A = arith.constant 0 : index
    %swap3A_43 = arith.constant 0 : index
    %swap3A_44 = vector.load %arg4[%swap3A, %swap3A_43] : memref<1000x32xf32, #tpu.memory_space<vmem>>, vector<1000x32xf32>
    tpu.vector_store %arg4[%swap3A, %swap3A_43], %add3A_42 {strides = array<i32>} : memref<1000x32xf32, #tpu.memory_space<vmem>>, vector<1000x32xf32>,
    return
  }
  func.func @transform_0(%arg0: i32) -> (i32, i32, i32) {
    %c0_i32 = arith.constant 0 : i32
    %c0_i32_0 = arith.constant 0 : i32
    %c0_i32_1 = arith.constant 0 : i32
    return %c0_i32, %arg0, %c0_i32_0 : i32, i32, i32
  }
  func.func @transform_1(%arg0: i32) -> (i32, i32) {
    %c0_i32 = arith.constant 0 : i32
    %c0_i32_0 = arith.constant 0 : i32
    %c0_i32_1 = arith.constant 0 : i32
    return %c0_i32, %c0_i32_0 : i32, i32
  }
  func.func @transform_2(%arg0: i32) -> (i32, i32) {
    %c0_i32 = arith.constant 0 : i32
    %c0_i32_0 = arith.constant 0 : i32
    %c0_i32_1 = arith.constant 0 : i32
    return %c0_i32, %c0_i32_0 : i32, i32
  }
  func.func @transform_3(%arg0: i32) -> (i32, i32) {
    %c0_i32 = arith.constant 0 : i32
    %c0_i32_0 = arith.constant 0 : i32
    return %arg0, %c0_i32 : i32, i32
  }
}

</mosaic_0001>

<sc_bundles>
// kernel: kernel.5.cloned.1.call-start
scs
__scs_entry_jumppad:
0x0: {  	(pc) =	sbr.rel $0x88, $3  }
0x1: {  	(tag) =	ssettag $0x0;
	lr =	simm.s32 $0x1  }
0x2: {  	[smem:$0x3F92] =	sst lr;
	_ =	strace $0xD0000000  }
0x3: {  	_ = 	snop  }
0x4: {  	_ = 	snop  }
0x5: {  	_ = 	snop  }
0x6: {  	_ = 	snop  }
0x7: {  	_ = 	snop  }
__scs_overlays_trampoline_lowered:
0x8: {  	[smem:$0x3FA1] =	sst s0  }
0x9: {  	[smem:$0x3FA2] =	sst s1  }
0xa: {  	[smem:$0x3FA3] =	sst s2  }
0xb: {  	[smem:$0x3FA4] =	sst s3  }
0xc: {  	[smem:$0x3FA5] =	sst s4  }
0xd: {  	[smem:$0x3FA6] =	sst s5  }
0xe: {  	[smem:$0x3FA7] =	sst s6  }
0xf: {  	[smem:$0x3FA8] =	sst s7  }
0x10: {  	[smem:$0x3FA9] =	sst s8  }
0x11: {  	[smem:$0x3FAA] =	sst s9;
	s0 =	simm.s32 @!p0 $0x0  }
0x12: {  	s1 =	sld [smem:$0x3F90];
	s0 =	simm.s32 @p0 $0x1  }
0x13: {  	[smem:$0x3FAB] =	sst s0;
	s0 =	simm.s32 @!p1 $0x0  }
0x14: {  	s2 =	sld [smem:$0x3F8F];
	s0 =	simm.s32 @p1 $0x1  }
0x15: {  	[smem:$0x3FAC] =	sst s0;
	s0 =	simm.s32 @!p2 $0x0  }
0x16: {  	s3 =	sld [smem:$0x3FDB];
	s0 =	simm.s32 @p2 $0x1  }
0x17: {  	s4 =	simm.s32 $0x1BF5;
	[smem:$0x3FAE] =	sst s0  }
0x18: {  	s0 =	sld [smem:$0x3F91];
	_ =	swait.ge [sflag:s4], $0x0  }
0x19: {  	s7 =	sld [smem:$0x3F92]  }
0x1a: {  	s8 =	sadd.s32 $0xFFFFE003, lr  }
0x1b: {  	s9 =	sadd.s32 $0xFFFFFEF7, lr;
	s5 =	simm.s32 $0xFFFFFFFF;
	p2 =	slt.u32 s8, $0xFFFFF086  }
0x1c: {  	p1 =	slt.u32 s9, $0xF7A;
	s5 =	simm.s32 @!p2 $0x0  }
0x1d: {  	s5 =	simm.s32 @p1 $0x1;
	p0 =	seq.s32 s7, s2  }
0x1e: {  	s7 =	smul.u32 @!p0 $0xF7A, s2;
	p2 =	seq.s32 @!p0 s5, $0x0  }
0x1f: {  	s9 =	smul.u32 $0xF7A, s1;
	s8 =	simm.s32 @!p0 $0x1BF5;
	p2 =	por !p2, p0  }
0x20: {  	[sflag:s8] =	ssyncset.s32 @!p0 $0xFFFFF086;
	s6 =	sadd.s32 @!p0 s3, s7;
	s7 =	simm.s32 @!p0 $0x108  }
0x21: {  	s3 =	sadd.s32 s3, s9;
	s6 =	sadd.s32 @!p0 $0x88, s6;
	s7 =	simm.s32 @p2 $0x1082  }
0x22: {  	[simem:s7], [sflag:s8] =	dma.local @!p0 [hbm:s6], $0xF7A  }
0x23: {  	s9 =	sor.u32 $0xD0000000, s2;
	s6 =	simm.s32 $0x108;
	_ =	swait.ge @!p0 [sflag:s8], $0x0  }
0x24: {  	s3 =	sadd.s32 $0x88, s3;
	s6 =	simm.s32 @!p1 $0x1082;
	[sflag:s4] =	ssyncset.s32 $0xFFFFF086  }
0x25: {  	[simem:s6], [sflag:s4] =	dma.local [hbm:s3], $0xF7A  }
0x26: {  	[smem:$0x3F92] =	sst s1;
	(tag) =	ssettag s2;
	_ =	strace s9  }
0x27: {  	s1 =	sld [smem:$0x3FA2]  }
0x28: {  	s2 =	sld [smem:$0x3FA3]  }
0x29: {  	s4 =	sld [smem:$0x3FA5]  }
0x2a: {  	p0 =	seq.s32 s5, $0x0;
	s5 =	sld [smem:$0x3FA6]  }
0x2b: {  	s6 =	sld [smem:$0x3FA7]  }
0x2c: {  	s7 =	sld [smem:$0x3FA8]  }
0x2d: {  	s3 =	simm.s32 $0x108;
	s8 =	sld [smem:$0x3FA9]  }
0x2e: {  	s3 =	simm.s32 @!p0 $0x1082;
	s9 =	sld [smem:$0x3FAA]  }
0x2f: {  	lr =	sadd.s32 s0, s3;
	s0 =	sld [smem:$0x3FA1]  }
0x30: {  	s3 =	sld [smem:$0x3FA4]  }
0x31: {  	[smem:$0x3FAD] =	sst s10  }
0x32: {  	s10 =	sld [smem:$0x3FAB];
	_ =	sdelay $0x3  }
0x33: {  	p0 =	seq.s32 s10, $0x1;
	s10 =	sld [smem:$0x3FAD];
	_ =	sdelay $0x3  }
0x34: {  	[smem:$0x3FAD] =	sst s10  }
0x35: {  	s10 =	sld [smem:$0x3FAC];
	_ =	sdelay $0x3  }
0x36: {  	p1 =	seq.s32 s10, $0x1;
	s10 =	sld [smem:$0x3FAD];
	_ =	sdelay $0x3  }
0x37: {  	[smem:$0x3FAD] =	sst s10  }
0x38: {  	s10 =	sld [smem:$0x3FAE]  }
0x39: {  	_ = 	snop;
	(pc) =	sbr.ind lr, $3  }
0x3a: {  	_ = 	snop  }
0x3b: {  	_ = 	snop  }
0x3c: {  	p2 =	seq.s32 s10, $0x1;
	s10 =	sld [smem:$0x3FAD]  }
0x3d: {  	_ =	shalt  }
0x3e: {  	_ =	shalt  }
0x3f: {  	_ =	shalt  }
0x40: {  	_ =	shalt  }
0x41: {  	_ =	shalt  }
0x42: {  	_ =	shalt  }
0x43: {  	_ =	shalt  }
0x44: {  	_ =	shalt  }
0x45: {  	_ =	shalt  }
0x46: {  	_ =	shalt  }
0x47: {  	_ =	shalt  }
0x48: {  	_ =	shalt  }
0x49: {  	_ =	shalt  }
0x4a: {  	_ =	shalt  }
0x4b: {  	_ =	shalt  }
0x4c: {  	_ =	shalt  }
0x4d: {  	_ =	shalt  }
0x4e: {  	_ =	shalt  }
0x4f: {  	_ =	shalt  }
0x50: {  	_ =	shalt  }
0x51: {  	_ =	shalt  }
0x52: {  	_ =	shalt  }
0x53: {  	_ =	shalt  }
0x54: {  	_ =	shalt  }
0x55: {  	_ =	shalt  }
0x56: {  	_ =	shalt  }
0x57: {  	_ =	shalt  }
0x58: {  	_ =	shalt  }
0x59: {  	_ =	shalt  }
0x5a: {  	_ =	shalt  }
0x5b: {  	_ =	shalt  }
0x5c: {  	_ =	shalt  }
0x5d: {  	_ =	shalt  }
0x5e: {  	_ =	shalt  }
0x5f: {  	_ =	shalt  }
0x60: {  	_ =	shalt  }
0x61: {  	_ =	shalt  }
0x62: {  	_ =	shalt  }
0x63: {  	_ =	shalt  }
0x64: {  	_ =	shalt  }
0x65: {  	_ =	shalt  }
0x66: {  	_ =	shalt  }
0x67: {  	_ =	shalt  }
0x68: {  	_ =	shalt  }
0x69: {  	_ =	shalt  }
0x6a: {  	_ =	shalt  }
0x6b: {  	_ =	shalt  }
0x6c: {  	_ =	shalt  }
0x6d: {  	_ =	shalt  }
0x6e: {  	_ =	shalt  }
0x6f: {  	_ =	shalt  }
0x70: {  	_ =	shalt  }
0x71: {  	_ =	shalt  }
0x72: {  	_ =	shalt  }
0x73: {  	_ =	shalt  }
0x74: {  	_ =	shalt  }
0x75: {  	_ =	shalt  }
0x76: {  	_ =	shalt  }
0x77: {  	_ =	shalt  }
0x78: {  	_ =	shalt  }
0x79: {  	_ =	shalt  }
0x7a: {  	_ =	shalt  }
0x7b: {  	_ =	shalt  }
0x7c: {  	_ =	shalt  }
0x7d: {  	_ =	shalt  }
0x7e: {  	_ =	shalt  }
0x7f: {  	_ =	shalt  }
0x80: {  	_ =	shalt  }
0x81: {  	_ =	shalt  }
0x82: {  	_ =	shalt  }
0x83: {  	_ =	shalt  }
0x84: {  	_ =	shalt  }
0x85: {  	_ =	shalt  }
0x86: {  	_ =	shalt  }
0x87: {  	_ =	shalt  }
.Lfunc_end0:
.L_simem_size_0:
called_computation_lowered:
.L_overlay_start_0:
0x88: {  	s2 =	sld [smem:$0x3FD9]  }
0x89: {  	s3 =	sld [smem:$0x3FFE];
	_ =	sdelay $0x1  }
0x8a: {  	s1 =	srdreg.scid  }
0x8b: {  	s0 =	sand.u32 $0x1, s1  }
0x8c: {  	s17 =	sshll.u32 s0, $0xA;
	s2 =	sadd.s32 s3, s2  }
0x8d: {  	s2 =	sadd.s32 s2, s17  }
0x8e: {  	[smem:$0x3FB9] =	sst s2  }
0x8f: {  	_ = 	snop  }
0x90: {  	s2 =	sld [smem:$0x3FD0];
	(tm) =	ssettm $0x1  }
0x91: {  	s18 =	sld [smem:$0x3FFB];
	_ =	sdelay $0x3  }
0x92: {  	_ =	strace s18  }
0x93: {  	s3 =	sld [smem:$0x3FFC];
	_ =	sdelay $0x3  }
0x94: {  	_ =	strace s3  }
0x95: {  	s3 =	sld [smem:$0x3FFD];
	_ =	sdelay $0x3  }
0x96: {  	_ =	strace s3  }
0x97: {  	_ =	strace $0x8FFFFFFF  }
0x98: {  	s19 =	sld [smem:$0x3FDB];
	_ =	sdelay $0x1  }
0x99: {  	s4 =	simm.s32 $_scs_section_size  }
0x9a: {  	s5 =	simm.s32 $_size__tile_overlayer_lowered;
	s6 =	simm.s32 $_tile_overlayer_lowered  }
0x9b: {  	s22 =	simm.s32 $0x1BFF;
	s21 =	sshll.u32 s6, $0x1;
	s3 =	sadd.s32 s4, s19  }
0x9c: {  	s7 =	simm.s32 $0x0;
	s20 =	sshll.u32 s5, $0x1;
	s5 =	sadd.s32 s21, s3  }
0x9d: {  	[timem:s7], [sflag:s22] =	dma.local [hbm:s5], s20  }
0x9e: {  	_ =	swait.ge [sflag:s22], s20  }
0x9f: {  	s4 =	ssub.s32 $0x0, s20;
	[sflag:s22] =	ssyncset.done $0x0  }
0xa0: {  	[sflag:s22] =	ssyncadd.s32 s4;
	_ =	sdelay $0x1  }
0xa1: {  	s23 =	simm.s32 $0x1B8B  }
0xa2: {  	_ =	swait.ge [sflag:s23], $0x1  }
0xa3: {  	[sflag:s23] =	ssyncset.done $0x0  }
0xa4: {  	s25 =	simm.s32 $0x1B8E;
	s24 =	sld [smem:$0x3FFE];
	[sflag:s23] =	ssyncadd.s32 $0xFFFFFFFF  }
0xa5: {  	s26 =	simm.s32 $execute0_lowered;
	[smem:$0x3FD2] =	sst s25  }
0xa6: {  	s5 =	sshll.u32 s26, $0x1;
	_ =	strace $0x80000046;
	[dreg:$0x1] =	wrdreg $0xFFFFFFFF  }
0xa7: {  	s28 =	simm.s32 $_size_execute0_lowered;
	s3 =	sadd.s32 s3, s5;
	[dreg:$0x0] =	wrdreg $0x0  }
0xa8: {  	s5 =	sshll.u32 s28, $0x1;
	[dreg:$0x2] =	wrdreg s3  }
0xa9: {  	[dreg:$0x3] =	wrdreg s5  }
0xaa: {  	[dreg:$0x4] =	wrdreg $0xC0  }
0xab: {  	_ =	task [dreg:s7], $0x5FFFF  }
0xac: {  	[dreg:$0x1] =	wrdreg $0xFFFFFFFF  }
0xad: {  	[dreg:$0x0] =	wrdreg $0x60  }
0xae: {  	[dreg:$0x2] =	wrdreg s24  }
0xaf: {  	[dreg:$0x3] =	wrdreg s2  }
0xb0: {  	[dreg:$0x4] =	wrdreg $0x0  }
0xb1: {  	[dreg:$0x5] =	wrdreg $0x9  }
0xb2: {  	_ =	task.clear_ibuf [dreg:s7], $0x6FFFF;
	_ =	strace $0x90000046  }
0xb3: {  	s29 =	simm.s32 $0x9;
	_ =	strace $0x80000048  }
0xb4: {  	_ =	swait.ge [sflag:s29], $0x1  }
0xb5: {  	[sflag:s29] =	ssyncadd.s32 $0xFFFFFFFF  }
0xb6: {  	_ =	strace $0x90000048  }
0xb7: {  	_ =	sfence  }
0xb8: {  	s30 =	sld [smem:$0x0];
	_ =	sdelay $0x2  }
0xb9: {  	s31 =	sshll.u32 s1, $0xD;
	s1 =	sshrl.u32 s1, $0x2  }
0xba: {  	s3 =	sand.u32 $0x4000, s31;
	s1 =	sadd.s32 s1, s30  }
0xbb: {  	s0 =	sor.u32 s3, s0;
	s1 =	sshll.u32 s1, $0x11  }
0xbc: {  	s0 =	sor.u32 s1, s0  }
0xbd: {  	s0 =	sadd.s32 $0x8F2B, s0  }
0xbe: {  	[sflag:s0] =	ssyncadd.remote.s32 $0x1  }
0xbf: {  	_ =	sfence.sel $0xFFFF  }
0xc0: {  	[dreg:$0x0] =	wrdreg $0xFFFFFFFF;
	(pc) =	sbr.abs _section_cstart, $3  }
0xc1: {  	[dreg:$0x1] =	wrdreg $0xFFFFFFFF  }
0xc2: {  	_ =	task.clear_ibuf [dreg:s7], $0x2FFFF;
	_ =	strace $0x9FFFFFFF  }
0xc3: {  	(tm) =	ssettm $0x7FFFFFFF  }
tec
execute0_lowered:
.L_overlay_start_1:
0x0: {  	(tag) =	ssettag $0x1  }
0x1: {  	s0 =	rddreg [dreg:$0x0];
	s1 =	srdreg.scid  }
0x2: {  	s16 =	stileid.u32;
	s8 =	rddreg [dreg:$0x1]  }
0x3: {  	s2 =	rddreg [dreg:$0x2];
	s18 =	simm.s32 $0x5;
	s22 =	simm.s32 $0x50  }
0x4: {  	s21 =	simm.s32 $0x3;
	s23 =	simm.s32 $0x0;
	s1 =	sand.u32 $0x1, s1  }
0x5: {  	s3 =	sshll.u32 s16, $0x1;
	s10 =	smul.u32 $0xF000, s16;
	s5 =	sadd.s32 $0xE00, s0  }
0x6: {  	s6 =	sadd.s32 $0x19600, s0;
	s7 =	sadd.s32 $0x50A200, s0;
	s13 =	sadd.s32 $0x28200, s0  }
0x7: {  	s29 =	sshll.u32 s16, $0x6;
	s9 =	sor.u32 s1, s3;
	s11 =	smul.u32 $0xF0000, s1  }
0x8: {  	s3 =	simm.s32 $0x0;
	s1 =	ssub.s32 $0x2, s1;
	s4 =	smul.u32 $0x2710, s9  }
0x9: {  	[smem:$0x7FF] =	sst s3;
	s14 =	sshrl.u32 s10, $0x3;
	s15 =	smul.u32 $0x27100, s9  }
0xa: {  	s26 =	sshrl.u32 s1, $0x1;
	s17 =	sadd.s32 s10, s2;
	s9 =	smul.u32 $0x4E20, s9  }
0xb: {  	_ =	strace $0x80000047;
	[dreg:$0x4] =	wrdreg s13;
	s11 =	sadd.s32 s10, s11  }
0xc: {  	s14 =	sadd.s32 s14, s0;
	s1 =	ssub.s32 s1, s26;
	s10 =	sor.u32 $0x1C05, s29  }
0xd: {  	s17 =	sshrl.u32 s17, $0x3;
	s12 =	sshrl.u32 s4, $0x3;
	s11 =	sshrl.u32 s11, $0x3  }
.Ltmp0:
0xe: {  	s28 =	sadd.s32 $0x32200, s14;
	s30 =	sshrl.u32 s15, $0x3;
	(pc) =	sbr.rel .LBB2_1-.Ltmp0, $4  }
0xf: {  	s13 =	sadd.s32 s7, s9;
	s16 =	smax.u32 s1, $0x1;
	s1 =	simm.s32 $0x1  }
0x10: {  	s25 =	sadd.s32 s12, s0;
	s0 =	sadd.s32 s11, s0;
	[dreg:$0x5] =	wrdreg s28  }
0x11: {  	s12 =	sadd.s32 s8, s12;
	s31 =	sadd.s32 s7, s30;
	s11 =	sadd.s32 $0x28400, s25  }
0x12: {  	vm0 =	vmmov $0x1;
	s14 =	sadd.s32 $0xA0, s31;
	s15 =	sadd.s32 $0x50200, s0;
	s0 =	simm.s32 $0x2  }
.LBB2_7:
0x13: {  	s23 =	sadd.s32 $0x1, s23  }
0x14: {  	p0 =	sne.s32 s23, s16  }
.Ltmp1:
0x15: {  	[bflag:$0x0] =	sbarrier.arrive $0xFFFF;
	(pc) =	sbr.rel @!p0 .LBB2_8-.Ltmp1, $4  }
0x16: {  	[hbm:s15], [sflag:s10] =	dma.local [spmem:s17], $0x1E00  }
0x17: {  	_ =	swait.ge [sflag:s18], $0x1E00  }
0x18: {  	[sflag:s18] =	ssyncset.done $0x0  }
0x19: {  	[sflag:s18] =	ssyncadd.s32 $0xFFFFE200  }
.LBB2_1:
0x1a: {  	s8 =	rddreg [dreg:$0x5]  }
0x1b: {  	[spmem:s17], [sflag:s10] =	dma.local [hbm:s8], $0x1E00  }
0x1c: {  	_ =	swait.ge [sflag:s18], $0x1E00  }
0x1d: {  	[sflag:s18] =	ssyncset.done $0x0  }
0x1e: {  	s9 =	simm.s32 $0xF020;
	[sflag:s18] =	ssyncadd.s32 $0xFFFFE200  }
0x1f: {  	[tilespmem:s9], [sflag:$0x5] =	stream.linear.gather [hbm4b:s11+s3], $0x2710, $0x38;
	[tilespmem:$0x1D440] =	vst v63  }
0x20: {  	_ =	swait.ge [sflag:s18], $0x2710  }
0x21: {  	[sflag:s18] =	ssyncset.done $0x0  }
0x22: {  	s19 =	simm.s32 $0x11730;
	[sflag:s18] =	ssyncadd.s32 $0xFFFFD8F0  }
0x23: {  	[tilespmem:s19], [sflag:$0x5] =	stream.linear.gather [hbm4b:s12+s3], $0x2710, $0x38;
	[tilespmem:$0x1D440] =	vst v63  }
0x24: {  	_ =	swait.ge [sflag:s18], $0x2710  }
0x25: {  	[sflag:s18] =	ssyncset.done $0x0  }
0x26: {  	s20 =	simm.s32 $0xF000;
	s31 =	rddreg [dreg:$0x4];
	[sflag:s18] =	ssyncadd.s32 $0xFFFFD8F0  }
0x27: {  	[tilespmem:s20], [sflag:$0x5] =	stream.linear.gather [hbm4b:s31+s3], $0x20, $0x38;
	[tilespmem:$0x1D440] =	vst v63  }
0x28: {  	_ =	swait.ge [sflag:s18], $0x20  }
0x29: {  	[sflag:s18] =	ssyncset.done $0x0  }
0x2a: {  	[sflag:s18] =	ssyncadd.s32 $0xFFFFFFE0  }
0x2b: {  	s20 =	simm.s32 $0x13E40;
	[bflag:$0x0] =	sbarrier.arrive $0xFFFF  }
0x2c: {  	[tilespmem:s20], [sflag:$0x1] =	stream.indirect.gather [hbm4b:s5+s22], $0x50, s9, s22, $0xb8;
	[tilespmem:$0x1D440] =	vst v63  }
0x2d: {  	s24 =	simm.s32 $0x17040  }
0x2e: {  	[tilespmem:s24], [sflag:$0x2] =	stream.indirect.gather [hbm4b:s6+s22], $0x30, s19, s22, $0xb8;
	[tilespmem:$0x1D440] =	vst v63  }
0x2f: {  	s25 =	simm.s32 $0x18E40  }
0x30: {  	[tilespmem:s25], [sflag:$0x3] =	stream.linear.gather [hbm4b:s13+s3], $0x500, $0x38;
	[tilespmem:$0x1D440] =	vst v63  }
0x31: {  	s26 =	simm.s32 $0xF070;
	s28 =	simm.s32 $0x15740  }
0x32: {  	[tilespmem:s28], [sflag:$0x1] =	stream.indirect.gather [hbm4b:s5+s22], $0x50, s26, s22, $0xb8;
	[tilespmem:$0x1D440] =	vst v63  }
.Ltmp2:
0x33: {  	_ = 	snop;
	(pc) =	sbr.rel .LBB2_2-.Ltmp2, $4  }
0x34: {  	s29 =	simm.s32 $0x11780;
	s30 =	simm.s32 $0x17F40  }
0x35: {  	[tilespmem:s30], [sflag:$0x2] =	stream.indirect.gather [hbm4b:s6+s22], $0x30, s29, s22, $0xb8;
	[tilespmem:$0x1D440] =	vst v63  }
0x36: {  	p0 =	por $0x0, $0x0;
	s31 =	simm.s32 $0x19340;
	s24 =	simm.s32 $0x0  }
0x37: {  	[tilespmem:s31], [sflag:$0x3] =	stream.linear.gather [hbm4b:s14+s3], $0x500, $0x38;
	[tilespmem:$0x1D440] =	vst v63  }
.LBB2_6:
0x38: {  	s24 =	sadd.s32 $0x1, s24  }
0x39: {  	p1 =	sne.s32 s24, $0x7F  }
.Ltmp3:
0x3a: {  	_ = 	snop;
	(pc) =	sbr.rel @!p1 .LBB2_7-.Ltmp3, $2  }
0x3b: {  	_ =	sdelay $0x2  }
0x3c: {  	p0 =	por !p0, !p0  }
.LBB2_2:
0x3d: {  	p1 =	slt.u32 s24, $0x2  }
0x3e: {  	p2 =	sgt.u32 @!p1 s24, $0x7C  }
0x3f: {  	p2 =	por p1, !p2  }
.Ltmp4:
0x40: {  	_ = 	snop;
	(pc) =	sbr.rel @!p2 .LBB2_6-.Ltmp4, $4  }
0x41: {  	s8 =	simm.s32 @!p1 $0x4  }
0x42: {  	_ =	swait.ge @!p1 [sflag:s8], $0x1E00  }
0x43: {  	[sflag:s8] =	ssyncset.done @!p1 $0x0  }
0x44: {  	[sflag:s8] =	ssyncadd.s32 @!p1 $0xFFFFE200  }
0x45: {  	_ =	swait.ge [sflag:s1], $0x1900  }
0x46: {  	[sflag:s1] =	ssyncset.done $0x0  }
0x47: {  	[sflag:s1] =	ssyncadd.s32 $0xFFFFE700  }
0x48: {  	_ =	swait.ge [sflag:s0], $0xF00  }
0x49: {  	s8 =	simm.s32 $0x1;
	[sflag:s0] =	ssyncset.done $0x0  }
0x4a: {  	s8 =	simm.s32 @!p0 $0x0;
	[sflag:s0] =	ssyncadd.s32 $0xFFFFF100  }
0x4b: {  	s9 =	smul.u32 $0x1400, s8;
	_ =	swait.ge [sflag:s21], $0x500  }
0x4c: {  	[sflag:s21] =	ssyncset.done $0x0  }
0x4d: {  	s9 =	sshrl.u32 s9, $0x2;
	[sflag:s21] =	ssyncadd.s32 $0xFFFFFB00  }
0x4e: {  	s26 =	sadd.s32 $0x18E90, s9;
	v11 =	vld [tilespmem:$0xF000]  }
0x4f: {  	v12 =	vld [tilespmem:s26+$0x40]  }
0x50: {  	v9 =	vld [tilespmem:s26+$0xFFFFFFB0]  }
0x51: {  	v8 =	vld [tilespmem:s26+$0xFFFFFFC0]  }
0x52: {  	v10 =	vld [tilespmem:s26+$0xFFFFFFD0]  }
0x53: {  	v5 =	vld [tilespmem:s26+$0xFFFFFFE0]  }
0x54: {  	v3 =	vld [tilespmem:s26+$0xFFFFFFF0]  }
0x55: {  	s25 =	smul.u32 $0x6400, s8;
	v2 =	vld [tilespmem:s26+$0x0]  }
0x56: {  	s19 =	smul.u32 $0x3C00, s8;
	v0 =	vld [tilespmem:s26+$0x10]  }
0x57: {  	s9 =	sshrl.u32 s25, $0x2;
	v57 =	vld [tilespmem:s26+$0x20]  }
0x58: {  	s19 =	sshrl.u32 s19, $0x2;
	s25 =	sadd.s32 $0x13FD0, s9;
	v55 =	vld [tilespmem:s26+$0x30]  }
0x59: {  	s28 =	sadd.s32 $0x17130, s19;
	v1 =	vld [tilespmem:s25+$0x180]  }
0x5a: {  	v4 =	vld [tilespmem:s28+$0xE0]  }
0x5b: {  	v13 =	vld [tilespmem:s25+$0xFFFFFE90]  }
0x5c: {  	v14 =	vld [tilespmem:s25+$0xFFFFFEA0]  }
0x5d: {  	v15 =	vld [tilespmem:s28+$0xFFFFFF10]  }
0x5e: {  	v16 =	vld [tilespmem:s28+$0xFFFFFF20]  }
0x5f: {  	v18 =	vld [tilespmem:s25+$0xFFFFFEE0]  }
0x60: {  	v19 =	vld [tilespmem:s25+$0xFFFFFEF0];
	v17 =	vmul.f32 v12, v11  }
0x61: {  	v20 =	vld [tilespmem:s28+$0xFFFFFF50]  }
0x62: {  	v21 =	vld [tilespmem:s25+$0xFFFFFF30];
	(xrf2) =	vadd.scan.msk.f32 $0xffff, v17  }
0x63: {  	v22 =	vld [tilespmem:s25+$0xFFFFFF40]  }
0x64: {  	v23 =	vld [tilespmem:s28+$0xFFFFFF70]  }
0x65: {  	v24 =	vld [tilespmem:s28+$0xFFFFFF80]  }
0x66: {  	v25 =	vld [tilespmem:s25+$0xFFFFFF80]  }
0x67: {  	v26 =	vld [tilespmem:s25+$0xFFFFFF90]  }
0x68: {  	v27 =	vld [tilespmem:s28+$0xFFFFFFA0]  }
0x69: {  	v28 =	vld [tilespmem:s28+$0xFFFFFFB0]  }
0x6a: {  	v31 =	vld [tilespmem:s25+$0xFFFFFFD0];
	v29 =	vmul.f32 v11, v9  }
0x6b: {  	v17 =	vld [tilespmem:s28+$0xFFFFFF40]  }
0x6c: {  	v32 =	vmul.f32 v8, v11;
	v30, _, _ =	vpop (xrf2);
	(xrf2) =	vadd.scan.msk.f32 $0xffff, v29;
	v29 =	vld [tilespmem:s28+$0xFFFFFFD0]  }
0x6d: {  	v1 =	vadd.f32 v4, v1;
	v33 =	vmul.f32 v10, v11;
	v4 =	vbroadcast v30, $0xF;
	v30 =	vld [tilespmem:s25+$0xFFFFFFE0];
	[tilespmem:$0x1FFC0] =	vst v5  }
0x6e: {  	v34 =	vmul.f32 v5, v11;
	v36 =	vmul.f32 v3, v11;
	v35 =	vld [tilespmem:s28+$0xFFFFFFE0];
	[tilespmem:$0x1FFD0] =	vst v3  }
0x6f: {  	v63 =	vmul.f32 v2, v11;
	v37 =	vmul.f32 v0, v11;
	(xrf2) =	vadd.scan.msk.f32 $0xffff, v32;
	v45 =	vld [tilespmem:s25+$0x140];
	[tilespmem:$0x1FFE0] =	vst v2  }
0x70: {  	v13 =	vmul.f32 v15, v13;
	(xrf2) =	vadd.scan.msk.f32 $0xffff, v33;
	v62 =	vadd.f32 v4, v1;
	v4 =	vld [tilespmem:s25+$0x150];
	[tilespmem:$0x1FFF0] =	vst v0  }
0x71: {  	v14 =	vmul.f32 v16, v14;
	v16 =	vmul.f32 v17, v18;
	(xrf2) =	vadd.scan.msk.f32 $0xffff, v34;
	v2 =	vld [tilespmem:s25+$0x160]  }
0x72: {  	v17 =	vmul.f32 v20, v19;
	(xrf2) =	vadd.scan.msk.f32 $0xffff, v36;
	v1 =	vmul.f32 $2.000000030e-01, v62;
	v41 =	vld [tilespmem:s28+$0xC0]  }
0x73: {  	v38 =	vmul.f32 v57, v11;
	v11 =	vmul.f32 v55, v11;
	v13 =	vadd.f32 v14, v13;
	(xrf2) =	vadd.scan.msk.f32 $0xffff, v63;
	v14 =	vld [tilespmem:s25+$0x20]  }
0x74: {  	v16 =	vadd.f32 v17, v16;
	v17 =	vmul.f32 v23, v21;
	v19 =	vld [tilespmem:s28+$0x10];
	(xrf2) =	vadd.scan.msk.f32 $0xffff, v37;
	v15 =	vmax.f32 v62, v1  }
0x75: {  	v21 =	vmul.f32 v24, v22;
	v22 =	vld [tilespmem:s25+$0x70];
	(xrf2) =	vadd.scan.msk.f32 $0xffff, v38;
	v15 =	vmul.f32 $1.442695020e+00, v15  }
0x76: {  	v43 =	vld [tilespmem:s25+$0x80]  }
0x77: {  	(xrf2) =	vadd.scan.msk.f32 $0xffff, v11;
	(erf) = vpow2.f32 v15;
	v15 =	vld [tilespmem:s25+$0x30]  }
0x78: {  	v11, _, _ =	vpop (xrf2);
	(xrf2) =	vadd.scan.msk.f32 $0xffff, v13;
	v13 =	vld [tilespmem:s28+$0x0]  }
0x79: {  	v18, _, _ =	vpop (xrf2);
	v24 =	vbroadcast v11, $0xF;
	v11 =	vadd.f32 v21, v17;
	v21 =	vmul.f32 v27, v25;
	(xrf2) =	vadd.scan.msk.f32 $0xffff, v16;
	v16 =	vld [tilespmem:s28+$0x30]  }
0x7a: {  	v25 =	vmul.f32 v28, v26;
	v27 =	vmul.f32 v29, v31;
	v29 =	vld [tilespmem:s28+$0x40];
	v20, _, _ =	vpop (xrf2)  }
0x7b: {  	v40 =	vld [tilespmem:s25+$0x170];
	v28 =	vmul.f32 v35, v30;
	v23, _, _ =	vpop (xrf2)  }
0x7c: {  	v44 =	vld [tilespmem:s25+$0x110];
	v30 =	vbroadcast v20, $0xF;
	v20 =	vadd.f32 v25, v21;
	(xrf2) =	vadd.scan.msk.f32 $0xffff, v11;
	v17, _, _ =	vpop (xrf2)  }
0x7d: {  	v33 =	vmul.f32 v41, v2;
	v31 =	vld [tilespmem:s28+$0x60];
	v27 =	vadd.f32 v28, v27;
	v26, _, _ =	vpop (xrf2)  }
0x7e: {  	v25 =	vld [tilespmem:s25+$0xC0];
	v13 =	vmul.f32 v13, v14;
	v15 =	vmul.f32 v19, v15;
	(xrf2) =	vadd.scan.msk.f32 $0xffff, v20;
	v21, _, _ =	vpop (xrf2)  }
0x7f: {  	v19 =	vld [tilespmem:s25+$0xD0];
	(xrf2) =	vadd.scan.msk.f32 $0xffff, v27;
	v22 =	vmul.f32 v16, v22;
	v29 =	vmul.f32 v29, v43;
	v28, _, _ =	vpop (xrf2)  }
0x80: {  	v18 =	vbroadcast v18, $0xF;
	v23 =	vbroadcast v23, $0xF;
	v13 =	vadd.f32 v15, v13;
	v15 =	vld [tilespmem:s28+$0x70];
	v11 =	vpop (erf)  }
0x81: {  	v22 =	vadd.f32 v29, v22;
	v29 =	vld [tilespmem:s28+$0x90];
	v14 =	vmul.f32 v11, v12;
	v12 =	vbroadcast v21, $0xF;
	v21, _, _ =	vpop (xrf2)  }
0x82: {  	v46 =	vld [tilespmem:s28+$0xA0];
	v17 =	vbroadcast v17, $0xF;
	v26 =	vbroadcast v26, $0xF;
	v27, _, _ =	vpop (xrf2);
	(xrf2) =	vadd.scan.msk.f32 $0xffff, v13  }
0x83: {  	v28 =	vbroadcast v28, $0xF;
	v25 =	vmul.f32 v31, v25;
	v13 =	vld [tilespmem:s25+$0x120]  }
0x84: {  	v42 =	vld [tilespmem:s28+$0xD0];
	v20 =	vmul.f32 v11, v45;
	v27 =	vmul.f32 $1.442695020e+00, v27;
	v47, _, _ =	vpop (xrf2)  }
0x85: {  	v48 =	vld [tilespmem:s28+$0xFFFFFF30];
	v15 =	vmul.f32 v15, v19;
	(xrf2) =	vadd.scan.msk.f32 $0xffff, v22;
	v22 =	vmul.f32 $1.442695020e+00, v47  }
0x86: {  	v31 =	vld [tilespmem:s25+$0xFFFFFEB0];
	v49, _, _ =	vpop (xrf2);
	v29 =	vmul.f32 v29, v44;
	v27 =	vbroadcast v27, $0xF  }
0x87: {  	v50 =	vld [tilespmem:s28+$0xFFFFFF60];
	v15 =	vadd.f32 v15, v25;
	v25 =	vmul.f32 $1.442695020e+00, v49;
	v22 =	vbroadcast v22, $0xF  }
0x88: {  	v52 =	vld [tilespmem:s25+$0xFFFFFF50];
	v51, _, _ =	vpop (xrf2);
	(erf) = vpow2.f32 v27;
	v13 =	vmul.f32 v46, v13  }
0x89: {  	v27 =	vld [tilespmem:s25+$0xFFFFFF00];
	(xrf2) =	vadd.scan.msk.f32 $0xffff, v15;
	v15 =	vbroadcast v25, $0xF;
	v25 =	vmul.f32 $1.442695020e+00, v51;
	v53, _, _ =	vpop (xrf2)  }
0x8a: {  	v54 =	vld [tilespmem:s28+$0xFFFFFF90];
	(erf) = vpow2.f32 v22;
	v22 =	vmul.f32 $1.442695020e+00, v53;
	v13 =	vadd.f32 v13, v29  }
0x8b: {  	v56 =	vld [tilespmem:s25+$0xFFFFFFA0];
	(erf) = vpow2.f32 v15;
	v15 =	vbroadcast v25, $0xF;
	v25 =	vadd.f32 v48, v31  }
0x8c: {  	v19 =	vmul.f32 v42, v40;
	v31 =	vld [tilespmem:s28+$0xFFFFFFC0];
	v22 =	vbroadcast v22, $0xF;
	v29, _, _ =	vpop (xrf2)  }
0x8d: {  	v58 =	vld [tilespmem:s25+$0xFFFFFFF0];
	(erf) = vpow2.f32 v15;
	(xrf2) =	vadd.scan.msk.f32 $0xffff, v13;
	v13 =	vadd.f32 v24, v25;
	v29 =	vmul.f32 $1.442695020e+00, v29  }
0x8e: {  	v16 =	vmul.f32 v11, v4;
	v15 =	vadd.f32 v50, v27;
	v25 =	vld [tilespmem:s28+$0xFFFFFFF0];
	(erf) = vpow2.f32 v22  }
0x8f: {  	v19 =	vadd.f32 v19, v33;
	v27 =	vld [tilespmem:s25+$0x40];
	v59 =	vmul.f32 $2.000000030e-01, v13;
	v22 =	vbroadcast v29, $0xF  }
0x90: {  	v21 =	vbroadcast v21, $0xF;
	v24 =	vadd.f32 v54, v52;
	v15 =	vadd.f32 v18, v15;
	v18 =	vld [tilespmem:s28+$0x20]  }
0x91: {  	v13 =	vmax.f32 v13, v59;
	(erf) = vpow2.f32 v22;
	v22 =	vadd.f32 v31, v56  }
0x92: {  	v60 =	vld [tilespmem:s28+$0x50];
	v29, _, _ =	vpop (xrf2);
	v31 =	vmul.f32 $2.000000030e-01, v15;
	v13 =	vmul.f32 $1.442695020e+00, v13  }
0x93: {  	(xrf2) =	vadd.scan.msk.f32 $0xffff, v19;
	v19 =	vadd.f32 v30, v24;
	v30 =	vld [tilespmem:s25+$0x90];
	v29 =	vmul.f32 $1.442695020e+00, v29;
	v22 =	vadd.f32 v23, v22  }
0x94: {  	v61 =	vld [tilespmem:s25+$0xE0];
	v23 =	vadd.f32 v25, v58;
	v15 =	vmax.f32 v15, v31;
	(erf) = vpow2.f32 v13  }
0x95: {  	v25, _, _ =	vpop (xrf2);
	v31 =	vld [tilespmem:s28+$0x80];
	v18 =	vadd.f32 v18, v27;
	v24 =	vbroadcast v29, $0xF;
	v29 =	vmul.f32 $2.000000030e-01, v19  }
0x96: {  	v36 =	vld [tilespmem:s25+$0xFFFFFEC0];
	v25 =	vmul.f32 $1.442695020e+00, v25;
	v63 =	vmul.f32 $1.442695020e+00, v15  }
0x97: {  	v62 =	vmul.f32 $2.000000030e-01, v22;
	v17 =	vadd.f32 v17, v23;
	v23 =	vld [tilespmem:s25+$0x130];
	v18 =	vadd.f32 v26, v18  }
0x98: {  	s8 =	smul.u32 $0x7800, s8;
	v15 =	vmax.f32 v19, v29;
	v25 =	vbroadcast v25, $0xF;
	v19 =	vld [tilespmem:s28+$0xB0];
	v26 =	vadd.f32 v60, v30  }
0x99: {  	v34 =	vld [tilespmem:s25+$0xFFFFFF10];
	(erf) = vpow2.f32 v63;
	v27 =	vmul.f32 $2.000000030e-01, v17  }
0x9a: {  	s8 =	sshrl.u32 s8, $0x2;
	v37 =	vld [tilespmem:s25+$0xFFFFFED0];
	v40 =	vmul.f32 $1.442695020e+00, v15;
	v29, _, _ =	vpop (xrf2);
	v12 =	vadd.f32 v12, v26;
	v26 =	vadd.f32 v31, v61  }
0x9b: {  	s19 =	sadd.s32 $0x19A20, s8;
	v35 =	vld [tilespmem:s25+$0xFFFFFE80];
	v15 =	vmax.f32 v22, v62;
	v39 =	vmul.f32 $2.000000030e-01, v18;
	v22 =	vmul.f32 $1.442695020e+00, v29  }
0x9c: {  	[tilespmem:s19+$0x190] =	vst v20;
	v20 =	vld [tilespmem:s25+$0x60];
	v41 =	vmul.f32 $1.442695020e+00, v15;
	v15 =	vmax.f32 v17, v27;
	v26 =	vadd.f32 v28, v26  }
0x9d: {  	v33 =	vld [tilespmem:s25+$0xFFFFFF20];
	v29 =	vbroadcast v22, $0xF;
	v17, _, _ =	vpop (xrf2);
	v22 =	vmul.f32 $2.000000030e-01, v12;
	v19 =	vadd.f32 v19, v23  }
0x9e: {  	v30 =	vld [tilespmem:s25+$0xFFFFFF60];
	v23 =	vmul.f32 $1.442695020e+00, v15;
	v15 =	vmax.f32 v18, v39;
	v17 =	vmul.f32 $1.442695020e+00, v17  }
0x9f: {  	s9 =	sand.u32 $0x1, s24;
	v31 =	vld [tilespmem:s25+$0xFFFFFF70];
	v18 =	vmul.f32 $2.000000030e-01, v26;
	v12 =	vmax.f32 v12, v22;
	v19 =	vadd.f32 v21, v19  }
0xa0: {  	s20 =	smul.u32 $0x1400, s9;
	v27 =	vld [tilespmem:s25+$0xFFFFFFB0];
	v42 =	vmul.f32 $1.442695020e+00, v15;
	v43 =	vmul.f32 $1.442695020e+00, v12  }
0xa1: {  	s8 =	smul.u32 $0x6400, s9;
	v15 =	vld [tilespmem:s25+$0xFFFFFFC0];
	v21 =	vmax.f32 v26, v18;
	v39 =	vbroadcast v17, $0xF;
	v22 =	vmul.f32 $2.000000030e-01, v19  }
0xa2: {  	s31 =	smul.u32 $0x3C00, s9;
	v18 =	vld [tilespmem:s25+$0x0];
	v26 =	vmul.f32 $1.442695020e+00, v21;
	v12 =	vpop (erf);
	(erf) = vpow2.f32 v40  }
0xa3: {  	s9 =	smul.u32 $0x7800, s9;
	v17 =	vld [tilespmem:s25+$0x10];
	v13 =	vmul.f32 v12, v35;
	v21 =	vmax.f32 v19, v22;
	v38 =	vpop (erf);
	(erf) = vpow2.f32 v41  }
0xa4: {  	s20 =	sshrl.u32 s20, $0x2;
	[tilespmem:s19+$0x1D0] =	vst v14;
	v19 =	vld [tilespmem:s25+$0x50];
	v32 =	vmul.f32 $1.442695020e+00, v21;
	v40 =	vpop (erf);
	v22 =	vmul.f32 v38, v36  }
0xa5: {  	s8 =	sshrl.u32 s8, $0x2;
	s9 =	sshrl.u32 s9, $0x2;
	s29 =	sadd.s32 $0x18E40, s20;
	[tilespmem:s19+$0x1A0] =	vst v16;
	v44 =	vmul.f32 v38, v37;
	v21 =	vld [tilespmem:s25+$0xA0];
	(erf) = vpow2.f32 v23;
	v28 =	vpop (erf)  }
0xa6: {  	s30 =	sadd.s32 $0x13E40, s8;
	s20 =	sshrl.u32 s31, $0x2;
	s8 =	sadd.s32 $0x19840, s9;
	v23 =	vld [tilespmem:s25+$0xF0];
	v41 =	vmul.f32 v40, v34;
	(erf) = vpow2.f32 v42;
	v14 =	vpop (erf);
	[tilespmem:s19+$0xFFFFFEB0] =	vst v22  }
0xa7: {  	s9 =	simm.s32 $0x0;
	s31 =	sor.u32 $0x17040, s20;
	s20 =	smov.u32 s19;
	v42 =	vmul.f32 v40, v33;
	v22 =	vld [tilespmem:s25+$0xB0];
	[tilespmem:s19+$0xFFFFFEC0] =	vst v44;
	(erf) = vpow2.f32 v43;
	v16 =	vpop (erf)  }
.LBB2_4:
0xa8: {  	v43 =	vld [tilespmem:$0xF000]  }
0xa9: {  	v7 =	vmov v45;
	v2 =	vld [tilespmem:$0x1FFC0];
	(erf) = vpow2.f32 v26;
	v45 =	vpop (erf)  }
0xaa: {  	s26 =	sadd.s32 $0xA0, s26;
	v3 =	vld [tilespmem:$0x1FFD0];
	[tilespmem:s19+$0xFFFFFF10] =	vst v41;
	(erf) = vpow2.f32 v32;
	v61 =	vpop (erf)  }
0xab: {  	v26 =	vld [tilespmem:s26+$0x40];
	[tilespmem:s19+$0xFFFFFF20] =	vst v42;
	v42 =	vmul.f32 v45, v9;
	v58 =	vmul.f32 v28, v30;
	v9 =	vsel vm0, v61, v38  }
0xac: {  	(erf) = vpow2.f32 v24;
	v24 =	vld [tilespmem:s26+$0xFFFFFFC0];
	v59 =	vmul.f32 v28, v31;
	[tilespmem:s19+$0xFFFFFE80] =	vst v9  }
0xad: {  	v44 =	vld [tilespmem:s26+$0xFFFFFFB0];
	v60 =	vmul.f32 v14, v27;
	[tilespmem:s19+$0xFFFFFF70] =	vst v58  }
0xae: {  	v50 =	vld [tilespmem:s26+$0x0];
	(erf) = vpow2.f32 v25;
	v62 =	vpop (erf);
	[tilespmem:s19+$0xFFFFFF80] =	vst v59  }
0xaf: {  	v53 =	vld [tilespmem:s26+$0x10];
	v37 =	vmul.f32 v61, v37;
	(erf) = vpow2.f32 v29;
	v29 =	vsel vm0, v62, v40;
	[tilespmem:s19+$0xFFFFFFD0] =	vst v60  }
0xb0: {  	v25 =	vld [tilespmem:s26+$0xFFFFFFD0];
	v0 =	vmul.f32 v61, v8;
	[tilespmem:s19+$0xFFFFFEE0] =	vst v29  }
0xb1: {  	v56 =	vld [tilespmem:s26+$0x20];
	v9 =	vmul.f32 v61, v36;
	[tilespmem:s19+$0xFFFFFEA0] =	vst v37  }
0xb2: {  	v34 =	vmul.f32 v62, v34;
	v36 =	vld [tilespmem:s25+$0x100];
	[tilespmem:s19+$0xFFFFFED0] =	vst v0  }
0xb3: {  	v6 =	vmov v57;
	v46 =	vmul.f32 v45, v35;
	v57 =	vmul.f32 v62, v33;
	v59 =	vld [tilespmem:s26+$0x30];
	[tilespmem:s19+$0xFFFFFE90] =	vst v9  }
0xb4: {  	v47 =	vpop (erf);
	v10 =	vmul.f32 v62, v10;
	v63 =	vmul.f32 v26, v43;
	v41 =	vld [tilespmem:s26+$0xFFFFFFE0];
	[tilespmem:s19+$0xFFFFFEF0] =	vst v34  }
0xb5: {  	(erf) = vpow2.f32 v39;
	v49 =	vpop (erf);
	v39 =	vmul.f32 v43, v44;
	v48 =	vld [tilespmem:s26+$0xFFFFFFF0];
	[tilespmem:s19+$0xFFFFFF00] =	vst v57  }
0xb6: {  	s28 =	sadd.s32 $0x1E0, s28;
	v27 =	vmul.f32 v49, v27;
	v57 =	vmul.f32 v49, v15;
	[tilespmem:s19+$0xFFFFFF30] =	vst v10;
	(xrf2) =	vadd.scan.msk.f32 $0xffff, v63;
	v63 =	vld [tilespmem:s25+$0xFFFFFE70]  }
0xb7: {  	v5 =	vmovc v4;
	v4 =	vmov v55;
	s25 =	sadd.s32 $0x320, s25;
	[tilespmem:s19+$0xFFFFFE70] =	vst v42;
	v42 =	vmul.f32 v47, v2;
	v2 =	vld [tilespmem:s28+$0xE0];
	v55 =	vmul.f32 v25, v43  }
0xb8: {  	v35 =	vsel vm0, v49, v14;
	v51 =	vpop (erf);
	v49 =	vmul.f32 v49, v3;
	v52 =	vmul.f32 v24, v43;
	[tilespmem:s19+$0xFFFFFE40] =	vst v46;
	v1 =	vld [tilespmem:s25+$0x180]  }
0xb9: {  	v54 =	vpop (erf);
	(xrf2) =	vadd.scan.msk.f32 $0xffff, v39;
	[tilespmem:s19+$0xFFFFFFB0] =	vst v27;
	v27 =	vld [tilespmem:s28+$0xFFFFFF50]  }
0xba: {  	v29 =	vsel vm0, v47, v28;
	v8 =	vmov v24;
	[tilespmem:s19+$0xFFFFFFF0] =	vst v49;
	v49 =	vld [tilespmem:s25+$0xFFFFFF40];
	v58 =	vpop (erf);
	(xrf2) =	vadd.scan.msk.f32 $0xffff, v52  }
0xbb: {  	v24 =	vmul.f32 v47, v30;
	[tilespmem:s19+$0xFFFFFFC0] =	vst v57;
	v52 =	vld [tilespmem:s25+$0xFFFFFE90];
	v60 =	vpop (erf);
	(xrf2) =	vadd.scan.msk.f32 $0xffff, v55;
	v55 =	vmov v48  }
0xbc: {  	v46 =	vmul.f32 v47, v31;
	v10 =	vmov v25;
	v40 =	vpop (erf);
	v25 =	vmov v41;
	[tilespmem:$0x1FFD0] =	vst v55;
	v55 =	vld [tilespmem:$0x1FFE0]  }
0xbd: {  	v47 =	vmul.f32 v56, v43;
	v57 =	vmov v56;
	v56 =	vmul.f32 v60, v36;
	v38 =	vpop (erf);
	[tilespmem:$0x1FFC0] =	vst v25;
	v25 =	vld [tilespmem:s28+$0xFFFFFF10]  }
0xbe: {  	[tilespmem:s19+$0xFFFFFF50] =	vst v24;
	v61 =	vmul.f32 v48, v43;
	v48 =	vld [tilespmem:s28+$0xFFFFFF20];
	v39 =	vpop (erf)  }
0xbf: {  	v62 =	vmul.f32 v50, v43;
	v0 =	vmul.f32 v53, v43;
	v9 =	vmov v44;
	[tilespmem:s19+$0x140] =	vst v56;
	v56 =	vld [tilespmem:s25+$0x170];
	v37 =	vpop (erf)  }
0xc0: {  	[tilespmem:s19+$0xFFFFFF60] =	vst v46;
	v44 =	vmul.f32 v41, v43;
	v41 =	vmul.f32 v45, v63;
	v34 =	vsel vm0, v11, v37;
	v11 =	vld [tilespmem:s25+$0xFFFFFEA0]  }
0xc1: {  	[tilespmem:s19+$0xFFFFFF90] =	vst v42;
	v1 =	vadd.f32 v2, v1;
	v24, _, _ =	vpop (xrf2);
	v46 =	vmul.f32 v51, v55;
	v55 =	vmov v50;
	v50 =	vld [tilespmem:s25+$0xFFFFFEE0]  }
0xc2: {  	[tilespmem:s19+$0xFFFFFE30] =	vst v41;
	(xrf2) =	vadd.scan.msk.f32 $0xffff, v44;
	v44 =	vmul.f32 v58, v21;
	v2 =	vbroadcast v24, $0xF;
	v24 =	vld [tilespmem:$0x1FFF0]  }
0xc3: {  	v3 =	vmul.f32 v51, v18;
	v41 =	vmul.f32 v54, v20;
	[tilespmem:$0x1FFE0] =	vst v55;
	v55 =	vld [tilespmem:s25+$0xFFFFFEF0]  }
0xc4: {  	v32 =	vsel vm0, v45, v12;
	v45 =	vmul.f32 v51, v17;
	[tilespmem:s19+$0xD0] =	vst v44;
	v44 =	vmul.f32 v16, v17;
	v17 =	vld [tilespmem:s28+$0xFFFFFFD0]  }
0xc5: {  	v28 =	vsel vm0, v51, v16;
	[tilespmem:s19+$0x80] =	vst v41;
	v51 =	vmul.f32 v54, v19;
	v11 =	vmul.f32 v48, v11;
	v48 =	vld [tilespmem:s25+$0xFFFFFF30]  }
0xc6: {  	v43 =	vmul.f32 v59, v43;
	v1 =	vadd.f32 v2, v1;
	[tilespmem:s19+$0x50] =	vst v46;
	v46 =	vmul.f32 v16, v18;
	v18 =	vld [tilespmem:s25+$0xFFFFFFD0]  }
0xc7: {  	[tilespmem:s19+$0x70] =	vst v51;
	v2, _, _ =	vpop (xrf2);
	(xrf2) =	vadd.scan.msk.f32 $0xffff, v61;
	v61 =	vld [tilespmem:s25+$0xFFFFFF90];
	v42 =	vmul.f32 v54, v24;
	v24 =	vmov v53  }
0xc8: {  	v30 =	vsel vm0, v54, v40;
	v53 =	vld [tilespmem:s28+$0xFFFFFF40];
	v54 =	vmul.f32 v58, v22;
	[tilespmem:$0x1FFF0] =	vst v24;
	v24 =	vbroadcast v2, $0xF  }
0xc9: {  	v2 =	vmul.f32 v25, v52;
	v25, _, _ =	vpop (xrf2);
	(xrf2) =	vadd.scan.msk.f32 $0xffff, v62;
	v62 =	vmul.f32 v27, v55;
	v55 =	vmov v59;
	v59 =	vld [tilespmem:s28+$0xD0]  }
0xca: {  	v52 =	vmul.f32 $2.000000030e-01, v1;
	[tilespmem:s19+$0xE0] =	vst v54;
	v54 =	vld [tilespmem:s25+$0x160]  }
0xcb: {  	v31 =	vsel vm0, v58, v38;
	[tilespmem:s20+$0x60] =	vst v30;
	v58 =	vmul.f32 v58, v6;
	v2 =	vadd.f32 v11, v2;
	v11 =	vld [tilespmem:s28+$0xFFFFFF70]  }
0xcc: {  	[tilespmem:s19+$0xB0] =	vst v42;
	v1 =	vmax.f32 v1, v52;
	v52 =	vld [tilespmem:s25+$0xFFFFFF80]  }
0xcd: {  	[tilespmem:s19+$0x110] =	vst v58;
	v30 =	vld [tilespmem:s25+$0x70]  }
0xce: {  	[tilespmem:s20+$0xC0] =	vst v31;
	v31 =	vld [tilespmem:s25+$0x80]  }
0xcf: {  	v51 =	vld [tilespmem:s25+$0xC0]  }
0xd0: {  	[tilespmem:s19+$0x20] =	vst v45;
	v27, _, _ =	vpop (xrf2);
	(xrf2) =	vadd.scan.msk.f32 $0xffff, v0;
	v45 =	vmul.f32 v53, v50;
	v50 =	vld [tilespmem:s28+$0xFFFFFF80]  }
0xd1: {  	[tilespmem:s20+$0xFFFFFE60] =	vst v13;
	v1 =	vmul.f32 $1.442695020e+00, v1;
	v13 =	vld [tilespmem:s25+$0xD0]  }
0xd2: {  	[tilespmem:s19+$0x10] =	vst v3;
	v3 =	vmul.f32 v60, v23;
	v0 =	vmul.f32 v12, v63;
	v53 =	vld [tilespmem:s25+$0x150]  }
0xd3: {  	v12 =	vmul.f32 v14, v15;
	v14, _, _ =	vpop (xrf2);
	(xrf2) =	vadd.scan.msk.f32 $0xffff, v47;
	(erf) = vpow2.f32 v1;
	v1 =	vadd.f32 v62, v45;
	v62 =	vld [tilespmem:s28+$0xFFFFFFA0]  }
0xd4: {  	v33 =	vsel vm0, v60, v39;
	v60 =	vmul.f32 v60, v4;
	v4 =	vmul.f32 v11, v48;
	v48 =	vld [tilespmem:s28+$0xFFFFFFB0]  }
0xd5: {  	v15 =	vmul.f32 v50, v49;
	v49 =	vld [tilespmem:s25+$0xFFFFFFE0]  }
0xd6: {  	[tilespmem:s19+$0xFFFFFE20] =	vst v32;
	v32 =	vmul.f32 v37, v7;
	v11, _, _ =	vpop (xrf2);
	(xrf2) =	vadd.scan.msk.f32 $0xffff, v43;
	v50 =	vld [tilespmem:s28+$0xFFFFFFE0]  }
0xd7: {  	v18 =	vmul.f32 v17, v18;
	[tilespmem:s19+$0xFFFFFF40] =	vst v29;
	v29 =	vmul.f32 v37, v5;
	v37 =	vld [tilespmem:s25+$0xFFFFFED0]  }
0xd8: {  	[tilespmem:s19+$0x130] =	vst v3;
	v47 =	vmul.f32 v40, v19;
	v19 =	vadd.f32 v15, v4;
	v16 =	vmul.f32 v62, v52;
	v52 =	vld [tilespmem:s25+$0x140]  }
0xd9: {  	v15 =	vbroadcast v11, $0xF;
	v11, _, _ =	vpop (xrf2);
	(xrf2) =	vadd.scan.msk.f32 $0xffff, v2;
	v3 =	vmul.f32 v48, v61;
	v61 =	vld [tilespmem:s25+$0x20];
	[tilespmem:s20+$0x0] =	vst v28  }
0xda: {  	v17, _, _ =	vpop (xrf2);
	(xrf2) =	vadd.scan.msk.f32 $0xffff, v1;
	v63 =	vld [tilespmem:s25+$0x30]  }
0xdb: {  	v28 =	vld [tilespmem:s28+$0x0];
	v58 =	vmul.f32 v50, v49  }
0xdc: {  	v23 =	vmul.f32 v39, v23;
	v36 =	vmul.f32 v39, v36;
	[tilespmem:s20+$0xFFFFFE50] =	vst v0;
	v42 =	vld [tilespmem:s28+$0x10]  }
0xdd: {  	[tilespmem:s20+$0xFFFFFFA0] =	vst v35;
	v35 =	vmul.f32 v59, v56;
	v56 =	vld [tilespmem:s25+$0xFFFFFEB0];
	v2 =	vadd.f32 v58, v18;
	v18, _, _ =	vpop (xrf2);
	(xrf2) =	vadd.scan.msk.f32 $0xffff, v19  }
0xde: {  	v20 =	vmul.f32 v40, v20;
	v48 =	vld [tilespmem:s28+$0x30];
	v3 =	vadd.f32 v3, v16;
	v16 =	vbroadcast v11, $0xF;
	v11 =	vpop (erf)  }
0xdf: {  	[tilespmem:s19+$0x170] =	vst v60;
	v21 =	vmul.f32 v38, v21;
	v6 =	vmul.f32 v11, v26;
	v26 =	vld [tilespmem:s28+$0xC0]  }
0xe0: {  	v22 =	vmul.f32 v38, v22;
	v60 =	vmul.f32 v11, v52;
	v45 =	vmov v52;
	v52 =	vld [tilespmem:s28+$0x60];
	v19, _, _ =	vpop (xrf2);
	(xrf2) =	vadd.scan.msk.f32 $0xffff, v3  }
0xe1: {  	v5 =	vmul.f32 v28, v61;
	v28 =	vld [tilespmem:s28+$0x40];
	v1 =	vmul.f32 v42, v63  }
0xe2: {  	[tilespmem:s20+$0x120] =	vst v33;
	v25 =	vbroadcast v25, $0xF;
	v27 =	vbroadcast v27, $0xF;
	v58 =	vld [tilespmem:s28+$0xFFFFFF90]  }
0xe3: {  	[tilespmem:s20+$0xFFFFFFE0] =	vst v12;
	v12 =	vmul.f32 v48, v30;
	v30 =	vld [tilespmem:s28+$0x70];
	v1 =	vadd.f32 v1, v5;
	v49, _, _ =	vpop (xrf2);
	(xrf2) =	vadd.scan.msk.f32 $0xffff, v2  }
0xe4: {  	v62 =	vmul.f32 v11, v53;
	[tilespmem:s20+$0xF0] =	vst v21;
	v21 =	vld [tilespmem:s28+$0xA0];
	v50 =	vmul.f32 $1.442695020e+00, v49;
	v3, _, _ =	vpop (xrf2)  }
0xe5: {  	s19 =	sadd.s32 $0x3C0, s19;
	[tilespmem:s20+$0xA0] =	vst v20;
	v20 =	vld [tilespmem:s28+$0x90];
	v26 =	vmul.f32 v26, v54;
	(xrf2) =	vadd.scan.msk.f32 $0xffff, v1;
	v5 =	vmul.f32 $1.442695020e+00, v3  }
0xe6: {  	[tilespmem:s19+$0x1D0] =	vst v6;
	v54 =	vld [tilespmem:s25+$0x120];
	v28 =	vmul.f32 v28, v31;
	v0 =	vbroadcast v50, $0xF  }
0xe7: {  	v4 =	vmov v53;
	[tilespmem:s19+$0x1A0] =	vst v62;
	v2 =	vmul.f32 v52, v51;
	v31 =	vld [tilespmem:s25+$0x110];
	v53 =	vbroadcast v5, $0xF;
	v3, _, _ =	vpop (xrf2)  }
0xe8: {  	[tilespmem:s20+$0x100] =	vst v22;
	v12 =	vadd.f32 v28, v12;
	v28 =	vld [tilespmem:s25+$0xFFFFFF50];
	(erf) = vpow2.f32 v0;
	v3 =	vmul.f32 $1.442695020e+00, v3  }
0xe9: {  	v13 =	vmul.f32 v30, v13;
	[tilespmem:s20+$0x150] =	vst v23;
	v23 =	vld [tilespmem:s28+$0xFFFFFF30];
	(erf) = vpow2.f32 v53  }
0xea: {  	v14 =	vbroadcast v14, $0xF;
	v59 =	vld [tilespmem:s28+$0xFFFFFFF0];
	[tilespmem:s19+$0x190] =	vst v60;
	v22, _, _ =	vpop (xrf2);
	(xrf2) =	vadd.scan.msk.f32 $0xffff, v12;
	v3 =	vbroadcast v3, $0xF  }
0xeb: {  	v17 =	vbroadcast v17, $0xF;
	[tilespmem:s20+$0x180] =	vst v34;
	v2 =	vadd.f32 v13, v2;
	v5 =	vmul.f32 $1.442695020e+00, v22;
	v22 =	vld [tilespmem:s25+$0xFFFFFF00]  }
0xec: {  	[tilespmem:s20+$0x1C0] =	vst v29;
	v1 =	vmul.f32 v21, v54;
	(erf) = vpow2.f32 v3;
	v3 =	vld [tilespmem:s28+$0xFFFFFF60]  }
0xed: {  	v34 =	vld [tilespmem:s25+$0xFFFFFF10];
	v13 =	vbroadcast v5, $0xF;
	v5 =	vmul.f32 v20, v31;
	v12, _, _ =	vpop (xrf2);
	(xrf2) =	vadd.scan.msk.f32 $0xffff, v2;
	v2 =	vadd.f32 v58, v28  }
0xee: {  	v18 =	vbroadcast v18, $0xF;
	[tilespmem:s20+$0x160] =	vst v36;
	v36 =	vld [tilespmem:s25+$0xFFFFFEC0];
	v0 =	vadd.f32 v23, v56;
	v29 =	vmul.f32 $1.442695020e+00, v12  }
0xef: {  	[tilespmem:s20+$0x30] =	vst v46;
	v19 =	vbroadcast v19, $0xF;
	v21 =	vld [tilespmem:s25+$0xFFFFFFA0];
	v20, _, _ =	vpop (xrf2);
	v1 =	vadd.f32 v1, v5;
	v2 =	vadd.f32 v27, v2  }
0xf0: {  	[tilespmem:s20+$0x40] =	vst v44;
	v0 =	vadd.f32 v24, v0;
	v20 =	vmul.f32 $1.442695020e+00, v20;
	v23 =	vbroadcast v29, $0xF;
	v29 =	vld [tilespmem:s28+$0xFFFFFFC0]  }
0xf1: {  	v12 =	vpop (erf);
	(erf) = vpow2.f32 v13;
	v13 =	vld [tilespmem:s25+$0xFFFFFFF0];
	(xrf2) =	vadd.scan.msk.f32 $0xffff, v1;
	v27 =	vmul.f32 $2.000000030e-01, v2;
	v3 =	vadd.f32 v3, v22  }
0xf2: {  	v26 =	vadd.f32 v35, v26;
	v38 =	vpop (erf);
	(erf) = vpow2.f32 v23;
	v22 =	vmul.f32 $2.000000030e-01, v0;
	v23 =	vld [tilespmem:s25+$0x40]  }
0xf3: {  	[tilespmem:s20+$0x90] =	vst v47;
	v20 =	vbroadcast v20, $0xF;
	v2 =	vmax.f32 v2, v27;
	v3 =	vadd.f32 v25, v3;
	v25 =	vld [tilespmem:s28+$0x20]  }
0xf4: {  	v62 =	vmul.f32 v38, v36;
	v63 =	vmul.f32 v38, v37;
	v24, _, _ =	vpop (xrf2);
	(xrf2) =	vadd.scan.msk.f32 $0xffff, v26;
	v26 =	vld [tilespmem:s25+$0x90];
	v0 =	vmax.f32 v0, v22  }
0xf5: {  	v22 =	vld [tilespmem:s28+$0x50];
	v2 =	vmul.f32 $1.442695020e+00, v2;
	v24 =	vmul.f32 $1.442695020e+00, v24;
	v21 =	vadd.f32 v29, v21  }
0xf6: {  	v40 =	vpop (erf);
	(erf) = vpow2.f32 v20;
	v20 =	vmul.f32 $2.000000030e-01, v3  }
0xf7: {  	v0 =	vmul.f32 $1.442695020e+00, v0;
	v1 =	vadd.f32 v59, v13;
	v13 =	vld [tilespmem:s25+$0xE0];
	v21 =	vadd.f32 v14, v21;
	v14, _, _ =	vpop (xrf2)  }
0xf8: {  	v24 =	vbroadcast v24, $0xF;
	v3 =	vmax.f32 v3, v20;
	v20 =	vld [tilespmem:s28+$0x80];
	v5 =	vmul.f32 $1.442695020e+00, v14  }
0xf9: {  	v41 =	vmul.f32 v40, v34;
	v1 =	vadd.f32 v15, v1;
	v15 =	vadd.f32 v25, v23  }
0xfa: {  	v27 =	vld [tilespmem:s28+$0xB0];
	v29 =	vmul.f32 $2.000000030e-01, v21;
	v25 =	vbroadcast v5, $0xF;
	v5 =	vadd.f32 v22, v26  }
0xfb: {  	v23 =	vld [tilespmem:s25+$0x130];
	v3 =	vmul.f32 $1.442695020e+00, v3;
	v30 =	vmul.f32 $2.000000030e-01, v1;
	v15 =	vadd.f32 v16, v15;
	v22, _, _ =	vpop (xrf2)  }
0xfc: {  	v33 =	vld [tilespmem:s25+$0xFFFFFF20];
	v21 =	vmax.f32 v21, v29;
	v22 =	vmul.f32 $1.442695020e+00, v22;
	v17 =	vadd.f32 v17, v5  }
0xfd: {  	v35 =	vld [tilespmem:s25+$0xFFFFFE80];
	v21 =	vmul.f32 $1.442695020e+00, v21;
	v1 =	vmax.f32 v1, v30;
	v13 =	vadd.f32 v20, v13  }
0xfe: {  	v31 =	vld [tilespmem:s25+$0xFFFFFF70];
	v28 =	vpop (erf);
	v26 =	vmul.f32 $2.000000030e-01, v15;
	v1 =	vmul.f32 $1.442695020e+00, v1  }
0xff: {  	v30 =	vld [tilespmem:s25+$0xFFFFFF60];
	v29 =	vbroadcast v22, $0xF;
	v20, _, _ =	vpop (xrf2);
	v22 =	vmul.f32 $2.000000030e-01, v17;
	v13 =	vadd.f32 v18, v13  }
0x100: {  	v14 =	vpop (erf);
	v18 =	vadd.f32 v27, v23;
	v15 =	vmax.f32 v15, v26;
	v20 =	vmul.f32 $1.442695020e+00, v20;
	v27 =	vld [tilespmem:s25+$0xFFFFFFB0]  }
0x101: {  	v16 =	vpop (erf);
	(erf) = vpow2.f32 v0;
	v17 =	vmax.f32 v17, v22;
	v23 =	vmul.f32 $1.442695020e+00, v15;
	v15 =	vld [tilespmem:s25+$0xFFFFFFC0]  }
0x102: {  	s9 =	sadd.s32 $0xA, s9;
	(erf) = vpow2.f32 v3;
	v22 =	vmul.f32 $2.000000030e-01, v13;
	v19 =	vadd.f32 v19, v18;
	v18 =	vld [tilespmem:s25+$0x0]  }
0x103: {  	p1 =	slt.u32 s9, $0x46;
	v60 =	vmul.f32 $1.442695020e+00, v17;
	v17 =	vld [tilespmem:s25+$0x10];
	(erf) = vpow2.f32 v2  }
.Ltmp5:
0x104: {  	v39 =	vbroadcast v20, $0xF;
	v20 =	vld [tilespmem:s25+$0x60];
	(erf) = vpow2.f32 v21;
	(pc) =	sbr.rel @p1 .LBB2_4-.Ltmp5, $4  }
0x105: {  	v21 =	vld [tilespmem:s25+$0xA0];
	v13 =	vmax.f32 v13, v22;
	v22 =	vmul.f32 $2.000000030e-01, v19;
	(erf) = vpow2.f32 v1  }
0x106: {  	[tilespmem:s20+$0x1B0] =	vst v32;
	v42 =	vmul.f32 v40, v33;
	(erf) = vpow2.f32 v23;
	v23 =	vld [tilespmem:s25+$0xF0]  }
0x107: {  	[tilespmem:s19+$0xFFFFFEB0] =	vst v62;
	v26 =	vmul.f32 $1.442695020e+00, v13;
	v13 =	vmul.f32 v12, v35;
	v61 =	vmax.f32 v19, v22;
	v19 =	vld [tilespmem:s25+$0x50]  }
0x108: {  	s20 =	smov.u32 s19;
	[tilespmem:s19+$0xFFFFFEC0] =	vst v63;
	v22 =	vld [tilespmem:s25+$0xB0];
	(erf) = vpow2.f32 v60;
	v32 =	vmul.f32 $1.442695020e+00, v61  }
0x109: {  	[tilespmem:s19+$0xFFFFFF10] =	vst v41;
	v0 =	vmul.f32 v28, v30  }
0x10a: {  	[tilespmem:s19+$0xFFFFFF20] =	vst v42;
	v1 =	vmul.f32 v28, v31  }
0x10b: {  	v61 =	vmul.f32 v14, v27;
	v2 =	vpop (erf);
	[tilespmem:s19+$0xFFFFFF70] =	vst v0  }
0x10c: {  	[tilespmem:s19+$0xFFFFFF80] =	vst v1;
	v62 =	vpop (erf)  }
0x10d: {  	[tilespmem:s19+$0xFFFFFFD0] =	vst v61;
	v44 =	vmul.f32 v2, v35;
	v3 =	vsel vm0, v62, v38  }
0x10e: {  	v46 =	vmul.f32 v2, v9;
	[tilespmem:s19+$0xFFFFFE80] =	vst v3  }
0x10f: {  	v63 =	vpop (erf);
	v3 =	vld [tilespmem:s25+$0xFFFFFE70];
	[tilespmem:s19+$0xFFFFFE40] =	vst v44  }
0x110: {  	v41 =	vmul.f32 v62, v36;
	v42 =	vsel vm0, v63, v40;
	[tilespmem:s19+$0xFFFFFE70] =	vst v46  }
0x111: {  	v37 =	vmul.f32 v62, v37;
	[tilespmem:s19+$0xFFFFFEE0] =	vst v42  }
0x112: {  	v1 =	vmul.f32 v62, v8;
	[tilespmem:s19+$0xFFFFFE90] =	vst v41  }
0x113: {  	v43 =	vmul.f32 v63, v34;
	[tilespmem:s19+$0xFFFFFEA0] =	vst v37  }
0x114: {  	v47 =	vmul.f32 v63, v33;
	[tilespmem:s19+$0xFFFFFED0] =	vst v1  }
0x115: {  	v48 =	vpop (erf);
	v0 =	vmul.f32 v63, v10;
	[tilespmem:s19+$0xFFFFFEF0] =	vst v43  }
0x116: {  	v49 =	vmul.f32 v48, v30;
	[tilespmem:s19+$0xFFFFFF00] =	vst v47  }
0x117: {  	[tilespmem:s19+$0xFFFFFF30] =	vst v0  }
0x118: {  	[tilespmem:s19+$0xFFFFFF50] =	vst v49  }
0x119: {  	v5 =	vld [tilespmem:$0x1FFC0];
	_ =	sdelay $0x2  }
0x11a: {  	v50 =	vmul.f32 v48, v31  }
0x11b: {  	v51 =	vmul.f32 v2, v3  }
0x11c: {  	[tilespmem:s19+$0xFFFFFF60] =	vst v50;
	v5 =	vmul.f32 v48, v5  }
0x11d: {  	[tilespmem:s19+$0xFFFFFE30] =	vst v51  }
0x11e: {  	[tilespmem:s19+$0xFFFFFF90] =	vst v5  }
0x11f: {  	v5 =	vld [tilespmem:$0x1FFD0];
	_ =	sdelay $0x1  }
0x120: {  	v52 =	vpop (erf)  }
0x121: {  	v53 =	vmul.f32 v52, v27  }
0x122: {  	v54 =	vmul.f32 v52, v15  }
0x123: {  	[tilespmem:s19+$0xFFFFFFB0] =	vst v53;
	v6 =	vmul.f32 v52, v5  }
0x124: {  	(erf) = vpow2.f32 v26;
	[tilespmem:s19+$0xFFFFFFC0] =	vst v54  }
0x125: {  	(erf) = vpow2.f32 v32;
	[tilespmem:s19+$0xFFFFFFF0] =	vst v6  }
0x126: {  	v61 =	vld [tilespmem:$0x1FFE0];
	_ =	sdelay $0x1  }
0x127: {  	v56 =	vpop (erf)  }
0x128: {  	v58 =	vmul.f32 v56, v18  }
0x129: {  	v59 =	vmul.f32 v56, v17  }
0x12a: {  	v60 =	vpop (erf);
	[tilespmem:s19+$0x10] =	vst v58;
	v5 =	vmul.f32 v56, v61  }
0x12b: {  	(erf) = vpow2.f32 v24;
	v62 =	vmul.f32 v60, v19;
	[tilespmem:s19+$0x20] =	vst v59  }
0x12c: {  	v31 =	vld [tilespmem:s25+$0x100];
	v63 =	vmul.f32 v60, v20;
	(erf) = vpow2.f32 v25;
	v30 =	vpop (erf);
	[tilespmem:s19+$0x50] =	vst v5  }
0x12d: {  	v33 =	vmul.f32 v30, v21;
	v35 =	vpop (erf);
	(erf) = vpow2.f32 v29;
	v7 =	vld [tilespmem:$0x1FFF0];
	[tilespmem:s19+$0x70] =	vst v62  }
0x12e: {  	v34 =	vmul.f32 v30, v22;
	(erf) = vpow2.f32 v39;
	[tilespmem:s19+$0x80] =	vst v63  }
0x12f: {  	v36 =	vmul.f32 v30, v57;
	[tilespmem:s19+$0xD0] =	vst v33  }
0x130: {  	v37 =	vmul.f32 v35, v23;
	[tilespmem:s19+$0xE0] =	vst v34  }
0x131: {  	v38 =	vmul.f32 v35, v31;
	[tilespmem:s19+$0x110] =	vst v36  }
0x132: {  	v39 =	vmul.f32 v35, v55;
	[tilespmem:s19+$0x130] =	vst v37  }
0x133: {  	[tilespmem:s19+$0x140] =	vst v38  }
0x134: {  	v40 =	vsel vm0, v2, v12;
	v44 =	vpop (erf);
	[tilespmem:s19+$0x170] =	vst v39  }
0x135: {  	v41 =	vsel vm0, v48, v28;
	v47 =	vpop (erf);
	[tilespmem:s19+$0xFFFFFE20] =	vst v40  }
0x136: {  	v42 =	vsel vm0, v52, v14;
	v49 =	vpop (erf);
	[tilespmem:s19+$0xFFFFFF40] =	vst v41  }
0x137: {  	v43 =	vsel vm0, v56, v16;
	v51 =	vpop (erf);
	[tilespmem:s20+$0xFFFFFFA0] =	vst v42  }
0x138: {  	v53 =	vmul.f32 v14, v15;
	v52 =	vsel vm0, v11, v51;
	[tilespmem:s20+$0x0] =	vst v43  }
0x139: {  	v54 =	vmul.f32 v16, v18;
	[tilespmem:s20+$0x180] =	vst v52  }
0x13a: {  	v55 =	vmul.f32 v16, v17;
	[tilespmem:s20+$0xFFFFFFE0] =	vst v53  }
0x13b: {  	[tilespmem:s20+$0x30] =	vst v54  }
0x13c: {  	v48 =	vsel vm0, v30, v47;
	[tilespmem:s20+$0x40] =	vst v55  }
0x13d: {  	v3 =	vmul.f32 v12, v3;
	v50 =	vsel vm0, v35, v49;
	[tilespmem:s20+$0xC0] =	vst v48  }
0x13e: {  	[tilespmem:s20+$0x120] =	vst v50  }
0x13f: {  	v58 =	vmul.f32 v47, v21;
	[tilespmem:s20+$0xFFFFFE50] =	vst v3  }
0x140: {  	v59 =	vmul.f32 v47, v22;
	[tilespmem:s20+$0xFFFFFE60] =	vst v13  }
0x141: {  	v61 =	vmul.f32 v49, v31;
	[tilespmem:s20+$0xF0] =	vst v58  }
0x142: {  	v62 =	vmul.f32 v51, v45;
	[tilespmem:s20+$0x100] =	vst v59  }
0x143: {  	v63 =	vmul.f32 v51, v4;
	[tilespmem:s20+$0x160] =	vst v61  }
0x144: {  	[tilespmem:s20+$0x1B0] =	vst v62;
	v32 =	vmul.f32 v60, v7  }
0x145: {  	v46 =	vsel vm0, v60, v44;
	[tilespmem:s20+$0x1C0] =	vst v63;
	v60 =	vmul.f32 v49, v23  }
0x146: {  	[tilespmem:s19+$0xB0] =	vst v32  }
0x147: {  	s9 =	smul.u32 $0x140, s24;
	v56 =	vmul.f32 v44, v19;
	[tilespmem:s20+$0x150] =	vst v60  }
0x148: {  	v57 =	vmul.f32 v44, v20;
	[tilespmem:s20+$0x60] =	vst v46  }
0x149: {  	p1 =	sgt.u32 s24, $0x7A;
	s9 =	sshra.s32 s9, $0x2;
	[tilespmem:s20+$0x90] =	vst v56  }
0x14a: {  	s9 =	sadd.s32 $0x11730, s9;
	s19 =	smul.u32 @!p1 $0x50, s24;
	[tilespmem:s20+$0xA0] =	vst v57  }
0x14b: {  	[spmem:s2] =	stream.indirect.scatter.add.f32 [tilespmem:s8], [sflag:$0x4], $0x60, s9, s22, $0xb8;
	[tilespmem:$0x1D440] =	vst v63  }
0x14c: {  	s8 =	sadd.s32 @!p1 $0xF0C0, s19;
	s9 =	simm.s32 @!p1 $0x50  }
0x14d: {  	[tilespmem:s30], [sflag:$0x1] =	stream.indirect.gather @!p1 [hbm4b:s5+s9], $0x50, s8, s9, $0xb8;
	[tilespmem:$0x1D440] =	vst v63  }
0x14e: {  	s8 =	sadd.s32 @!p1 s4, s19;
	s19 =	sadd.s32 @!p1 $0x117D0, s19  }
0x14f: {  	[tilespmem:s31], [sflag:$0x2] =	stream.indirect.gather @!p1 [hbm4b:s6+s9], $0x30, s19, s9, $0xb8;
	[tilespmem:$0x1D440] =	vst v63  }
.Ltmp6:
0x150: {  	s8 =	sshll.u32 @!p1 s8, $0x1;
	(pc) =	sbr.rel .LBB2_6-.Ltmp6, $4  }
0x151: {  	s8 =	sadd.s32 @!p1 $0x140, s8  }
0x152: {  	s8 =	sand.u32 @!p1 $0x1FFFFFE0, s8  }
0x153: {  	s9 =	simm.s32 @!p1 $0x0;
	s8 =	sadd.s32 @!p1 s7, s8  }
0x154: {  	[tilespmem:s29], [sflag:$0x3] =	stream.linear.gather @!p1 [hbm4b:s8+s9], $0x500, $0x38;
	[tilespmem:$0x1D440] =	vst v63  }
.LBB2_8:
0x155: {  	_ =	sfence.sel $0x180000  }
0x156: {  	[bflag:$0x0] =	sbarrier.arrive $0xFFFF  }
0x157: {  	_ =	strace $0x90000047  }
0x158: {  	s0 =	stileid.u32;
	[bflag:$0x2] =	sbarrier.arrive $0xFFFF  }
0x159: {  	p0 =	sne.s32 s0, $0x0;
	s0 =	rddreg [dreg:$0x3]  }
0x15a: {  	s0 =	sadd.s32 @!p0 $0x100000, s0  }
0x15b: {  	[sflag:s0] =	ssyncadd.tile.s32 @!p0 $0x1;
	_ =	shalt  }
.Lfunc_end2:
_tile_overlayer_lowered:
.L_overlay_start_2:
0x15c: {  	(tag) =	ssettag $0x2  }
0x15d: {  	s0 =	rddreg [dreg:$0x0];
	s2 =	stileid.u32  }
0x15e: {  	s1 =	rddreg [dreg:$0x1];
	p0 =	sne.s32 s2, $0x0  }
0x15f: {  	s3 =	rddreg [dreg:$0x2];
	[bflag:$0x3] =	sbarrier.arrive $0xFFFF;
	s2 =	simm.s32 @!p0 $0x1C05  }
0x160: {  	[timem:s3], [sflag:s2] =	dma.local @!p0 [hbm:s0], s1  }
0x161: {  	s0 =	simm.s32 @!p0 $0x5  }
0x162: {  	_ =	swait.ge @!p0 [sflag:s0], s1  }
0x163: {  	s1 =	ssub.s32 @!p0 $0x0, s1;
	[sflag:s0] =	ssyncset.done @!p0 $0x0  }
0x164: {  	[sflag:s0] =	ssyncadd.s32 @!p0 s1  }
0x165: {  	[bflag:$0x3] =	sbarrier.arrive $0xFFFF  }
0x166: {  	_ =	shalt  }

</sc_bundles>
